<compile_context>
chip_gen: v7x
topology: tpu7x:2x2x1
jax: 0.10.2.dev20260603
libtpu: 0.0.44.dev20260713+nightly
codegen_flags: <defaults>
</compile_context>

<pallas_src>
import functools

import jax
import jax.numpy as jnp
from jax import lax
from jax.experimental import pallas as pl
from jax.experimental.pallas import tpu as pltpu
from jax.experimental.pallas import tpu_sc as plsc

VOCAB = 1000000
EMBED = 3
BATCH = 16384

_info = plsc.get_sparse_core_info()
_NC, _NS, _L = _info.num_cores, _info.num_subcores, _info.num_lanes
_NW = _NC * _NS
_BPW = BATCH // _NW
_NGRP = _BPW // _L

_C = 262144


def _bf16_pack(a, b):
    au = jax.lax.bitcast_convert_type(a, jnp.uint32)
    bu = jax.lax.bitcast_convert_type(b, jnp.uint32)
    return jax.lax.bitcast_convert_type(
        (au >> 16) | (bu & jnp.uint32(0xFFFF0000)), jnp.int32)


def _detile_body(q_ref, k_ref, v_ref, qp, q2, kp0, kp1):
    qp[...] = _bf16_pack(q_ref[0, :], q_ref[1, :])
    q2[...] = q_ref[2, :]
    kp0[...] = _bf16_pack(k_ref[0, :], k_ref[1, :])
    sv = v_ref[0, :] + v_ref[1, :] + v_ref[2, :]
    kp1[...] = _bf16_pack(k_ref[2, :], sv)


def _detile(wq, wk, wv):
    grid = ((VOCAB + _C - 1) // _C,)
    in_spec = pl.BlockSpec((EMBED, _C), lambda i: (0, i))
    out_spec = pl.BlockSpec((_C,), lambda i: (i,))
    shapes = [jax.ShapeDtypeStruct((VOCAB,), jnp.int32),
              jax.ShapeDtypeStruct((VOCAB,), jnp.float32),
              jax.ShapeDtypeStruct((VOCAB,), jnp.int32),
              jax.ShapeDtypeStruct((VOCAB,), jnp.int32)]
    return pl.pallas_call(
        _detile_body,
        grid=grid,
        in_specs=[in_spec] * 3,
        out_specs=[out_spec] * 4,
        out_shape=shapes,
    )(jnp.swapaxes(wq, 0, 1), jnp.swapaxes(wk, 0, 1), jnp.swapaxes(wv, 0, 1))


def _body(item_h, p1_h, p2_h, p3_h,
          qp_h, q2_h, kp0_h, kp1_h,
          out_h,
          si_v, s1_v, s2_v, s3_v,
          qp_v, q2_v, kp_v,
          out_v, sem):
    wid = lax.axis_index("s") * _NC + lax.axis_index("c")
    base = wid * _BPW

    src = pl.ds(base, _BPW)
    idx_copies = [pltpu.async_copy(h.at[src], v, sem) for h, v in
                  ((item_h, si_v), (p1_h, s1_v), (p2_h, s2_v), (p3_h, s3_v))]
    for c in idx_copies:
        c.wait()

    def streams():
        return (
            (qp_h, si_v, qp_v, 0), (q2_h, si_v, q2_v, None),
            (kp0_h, s1_v, kp_v, 0), (kp1_h, s1_v, kp_v, 1),
            (kp0_h, s2_v, kp_v, 2), (kp1_h, s2_v, kp_v, 3),
            (kp0_h, s3_v, kp_v, 4), (kp1_h, s3_v, kp_v, 5),
        )

    copies = [pltpu.async_copy(tab.at[idx], dst if d is None else dst.at[d],
                               sem)
              for tab, idx, dst, d in streams()]
    for c in copies:
        c.wait()

    mask_hi = jnp.int32(-65536)

    def lo(u):
        return plsc.bitcast(u << 16, jnp.float32)

    def hi(u):
        return plsc.bitcast(u & mask_hi, jnp.float32)

    @plsc.parallel_loop(0, _BPW, _L, unroll=4)
    def grp(t):
        s = pl.ds(t, _L)
        uq = qp_v[0, s]
        q0, q1, q2 = lo(uq), hi(uq), q2_v[s]

        def score_sv(u0, u1):
            a = q0 * lo(u0) + q1 * hi(u0) + q2 * lo(u1)
            return jnp.exp(a), hi(u1)

        e1, sv1 = score_sv(kp_v[0, s], kp_v[1, s])
        e2, sv2 = score_sv(kp_v[2, s], kp_v[3, s])
        e3, sv3 = score_sv(kp_v[4, s], kp_v[5, s])
        num = e1 * sv1 + e2 * sv2 + e3 * sv3
        out_v[s] = num / (e1 + e2 + e3)

    pltpu.sync_copy(out_v, out_h.at[pl.ds(base, _BPW)])


_mesh = plsc.VectorSubcoreMesh(core_axis_name="c", subcore_axis_name="s")

_idx_t = pltpu.VMEM((_BPW,), jnp.int32)

_attn_sc = functools.partial(
    pl.kernel,
    mesh=_mesh,
    compiler_params=pltpu.CompilerParams(
        needs_layout_passes=False, use_tc_tiling_on_sc=False,
        skip_device_barrier=True),
    out_type=jax.ShapeDtypeStruct((BATCH,), jnp.float32),
    scratch_types=[
        _idx_t, _idx_t, _idx_t, _idx_t,
        pltpu.VMEM((1, _BPW), jnp.int32),
        pltpu.VMEM((_BPW,), jnp.float32),
        pltpu.VMEM((6, _BPW), jnp.int32),
        pltpu.VMEM((_BPW,), jnp.float32),
        pltpu.SemaphoreType.DMA,
    ],
)(_body)


def kernel(item, p1, p2, p3, w_query, w_key, w_value):
    qp, q2, kp0, kp1 = _detile(w_query, w_key, w_value)
    out = _attn_sc(item.astype(jnp.int32), p1.astype(jnp.int32),
                   p2.astype(jnp.int32), p3.astype(jnp.int32),
                   qp, q2, kp0, kp1)
    return jnp.reshape(out, (-1, 1))

# --- scband reference (transcript-rebuilt; emitter-appended) ---
"""Pipeline reference for scband-attention-layer-88940182766166 (READ-ONLY COPY).

The authoritative reference and input builder live on the scoring server;
editing this copy changes nothing except your own understanding.
"""

import jax, jax.numpy as jnp
import numpy as np

VOCAB = 1000000
EMBED = 3
BATCH = 16384

def setup_inputs(seed: int = 0) -> dict:
    key = jax.random.key(seed)
    k0, k1, k2, k3, kq, kk, kv = jax.random.split(key, 7)
    item = jax.random.randint(k0, (BATCH,), 0, VOCAB, dtype=jnp.int64) if jax.config.jax_enable_x64 else jax.random.randint(k0, (BATCH,), 0, VOCAB).astype(jnp.int32)
    p1 = jax.random.randint(k1, (BATCH,), 0, VOCAB).astype(item.dtype)
    p2 = jax.random.randint(k2, (BATCH,), 0, VOCAB).astype(item.dtype)
    p3 = jax.random.randint(k3, (BATCH,), 0, VOCAB).astype(item.dtype)
    w_query = jax.random.uniform(kq, (VOCAB, EMBED), minval=-0.05, maxval=0.05, dtype=jnp.float32)
    w_key = jax.random.uniform(kk, (VOCAB, EMBED), minval=-0.05, maxval=0.05, dtype=jnp.float32)
    w_value = jax.random.uniform(kv, (VOCAB, EMBED), minval=-0.05, maxval=0.05, dtype=jnp.float32)
    return {"item": item, "p1": p1, "p2": p2, "p3": p3, "w_query": w_query, "w_key": w_key, "w_value": w_value}

def reference(item, p1, p2, p3, w_query, w_key, w_value):
    q = jnp.take(w_query, item, axis=0)
    k1 = jnp.take(w_key, p1, axis=0)
    k2 = jnp.take(w_key, p2, axis=0)
    k3 = jnp.take(w_key, p3, axis=0)
    v1 = jnp.take(w_value, p1, axis=0)
    v2 = jnp.take(w_value, p2, axis=0)
    v3 = jnp.take(w_value, p3, axis=0)
    a1 = jnp.sum(q * k1, axis=1, keepdims=True)
    a2 = jnp.sum(q * k2, axis=1, keepdims=True)
    a3 = jnp.sum(q * k3, axis=1, keepdims=True)
    a = jax.nn.softmax(jnp.concatenate([a1, a2, a3], axis=1), axis=-1)
    w1 = jnp.concatenate([a[:, 0:1]] * 3, axis=1)
    c1 = jnp.sum(w1 * v1, axis=-1)
    w2 = jnp.concatenate([a[:, 1:2]] * 3, axis=1)
    c2 = jnp.sum(w2 * v2, axis=-1)
    w3 = jnp.concatenate([a[:, 2:3]] * 3, axis=1)
    c3 = jnp.sum(w3 * v3, axis=-1)
    c = c1 + c2 + c3
    return jnp.reshape(c, (-1, 1))

if __name__ == "__main__":
    import jax
    _d = setup_inputs()
    print(jax.jit(kernel)(*tuple(_d.values())))

</pallas_src>

<mosaic_0001>
#map = affine_map<(d0, d1) -> (0)>
module attributes {stable_mosaic.version = 14 : i64} {
  func.func @_body(%arg0: i32, %arg1: i32, %arg2: memref<16384xi32, #tpu.memory_space<hbm>>, %arg3: memref<16384xi32, #tpu.memory_space<hbm>>, %arg4: memref<16384xi32, #tpu.memory_space<hbm>>, %arg5: memref<16384xi32, #tpu.memory_space<hbm>>, %arg6: memref<1000000xi32, #tpu.memory_space<hbm>>, %arg7: memref<1000000xf32, #tpu.memory_space<hbm>>, %arg8: memref<1000000xi32, #tpu.memory_space<hbm>>, %arg9: memref<1000000xi32, #tpu.memory_space<hbm>>, %arg10: memref<16384xf32, #tpu.memory_space<hbm>>, %arg11: memref<512xi32, #tpu.memory_space<vmem>>, %arg12: memref<512xi32, #tpu.memory_space<vmem>>, %arg13: memref<512xi32, #tpu.memory_space<vmem>>, %arg14: memref<512xi32, #tpu.memory_space<vmem>>, %arg15: memref<1x512xi32, #tpu.memory_space<vmem>>, %arg16: memref<512xf32, #tpu.memory_space<vmem>>, %arg17: memref<6x512xi32, #tpu.memory_space<vmem>>, %arg18: memref<512xf32, #tpu.memory_space<vmem>>, %arg19: memref<!tpu.dma_semaphore, #tpu.memory_space<semaphore_mem>>) attributes {dimension_semantics = [#tpu.dimension_semantics<core_parallel>, #tpu.dimension_semantics<subcore_parallel>], iteration_bounds = array<i64: 2, 16>, scalar_prefetch = 0 : i64, scratch_operands = 9 : i64, tpu.core_type = #tpu.core_type<sc_vector_subcore>, window_params = [{transform_indices = #map}, {transform_indices = #map}, {transform_indices = #map}, {transform_indices = #map}, {transform_indices = #map}, {transform_indices = #map}, {transform_indices = #map}, {transform_indices = #map}, {transform_indices = #map}]} {
    %mul3A = arith.constant 2 : i32
    %mul3A_0 = arith.muli %arg1, %mul3A : i32
    %add3A = arith.addi %mul3A_0, %arg0 : i32
    %mul3A_1 = arith.constant 512 : i32
    %mul3A_2 = arith.muli %add3A, %mul3A_1 : i32
    %dma_start3A = tpu.memref_slice %arg2[%mul3A_2] : memref<16384xi32, #tpu.memory_space<hbm>> -> memref<512xi32, #tpu.memory_space<hbm>>
    %dma_start3A_3 = tpu.memref_slice %arg2[%mul3A_2] : memref<16384xi32, #tpu.memory_space<hbm>> -> memref<512xi32, #tpu.memory_space<hbm>>
    tpu.enqueue_dma source(%dma_start3A_3 : memref<512xi32, #tpu.memory_space<hbm>>) target(%arg11 : memref<512xi32, #tpu.memory_space<vmem>>) target_semaphore(%arg19 : memref<!tpu.dma_semaphore, #tpu.memory_space<semaphore_mem>>)
    %dma_start3A_4 = tpu.memref_slice %arg3[%mul3A_2] : memref<16384xi32, #tpu.memory_space<hbm>> -> memref<512xi32, #tpu.memory_space<hbm>>
    %dma_start3A_5 = tpu.memref_slice %arg3[%mul3A_2] : memref<16384xi32, #tpu.memory_space<hbm>> -> memref<512xi32, #tpu.memory_space<hbm>>
    tpu.enqueue_dma source(%dma_start3A_5 : memref<512xi32, #tpu.memory_space<hbm>>) target(%arg12 : memref<512xi32, #tpu.memory_space<vmem>>) target_semaphore(%arg19 : memref<!tpu.dma_semaphore, #tpu.memory_space<semaphore_mem>>)
    %dma_start3A_6 = tpu.memref_slice %arg4[%mul3A_2] : memref<16384xi32, #tpu.memory_space<hbm>> -> memref<512xi32, #tpu.memory_space<hbm>>
    %dma_start3A_7 = tpu.memref_slice %arg4[%mul3A_2] : memref<16384xi32, #tpu.memory_space<hbm>> -> memref<512xi32, #tpu.memory_space<hbm>>
    tpu.enqueue_dma source(%dma_start3A_7 : memref<512xi32, #tpu.memory_space<hbm>>) target(%arg13 : memref<512xi32, #tpu.memory_space<vmem>>) target_semaphore(%arg19 : memref<!tpu.dma_semaphore, #tpu.memory_space<semaphore_mem>>)
    %dma_start3A_8 = tpu.memref_slice %arg5[%mul3A_2] : memref<16384xi32, #tpu.memory_space<hbm>> -> memref<512xi32, #tpu.memory_space<hbm>>
    %dma_start3A_9 = tpu.memref_slice %arg5[%mul3A_2] : memref<16384xi32, #tpu.memory_space<hbm>> -> memref<512xi32, #tpu.memory_space<hbm>>
    tpu.enqueue_dma source(%dma_start3A_9 : memref<512xi32, #tpu.memory_space<hbm>>) target(%arg14 : memref<512xi32, #tpu.memory_space<vmem>>) target_semaphore(%arg19 : memref<!tpu.dma_semaphore, #tpu.memory_space<semaphore_mem>>)
    %dma_wait3A = tpu.memref_slice %arg2[%mul3A_2] : memref<16384xi32, #tpu.memory_space<hbm>> -> memref<512xi32, #tpu.memory_space<hbm>>
    %dma_wait3A_10 = tpu.memref_slice %arg2[%mul3A_2] : memref<16384xi32, #tpu.memory_space<hbm>> -> memref<512xi32, #tpu.memory_space<hbm>>
    tpu.wait_dma2 semaphore(%arg19 : memref<!tpu.dma_semaphore, #tpu.memory_space<semaphore_mem>>) src(%dma_wait3A_10 : memref<512xi32, #tpu.memory_space<hbm>>) dst(%arg11 : memref<512xi32, #tpu.memory_space<vmem>>)
    %dma_wait3A_11 = tpu.memref_slice %arg3[%mul3A_2] : memref<16384xi32, #tpu.memory_space<hbm>> -> memref<512xi32, #tpu.memory_space<hbm>>
    %dma_wait3A_12 = tpu.memref_slice %arg3[%mul3A_2] : memref<16384xi32, #tpu.memory_space<hbm>> -> memref<512xi32, #tpu.memory_space<hbm>>
    tpu.wait_dma2 semaphore(%arg19 : memref<!tpu.dma_semaphore, #tpu.memory_space<semaphore_mem>>) src(%dma_wait3A_12 : memref<512xi32, #tpu.memory_space<hbm>>) dst(%arg12 : memref<512xi32, #tpu.memory_space<vmem>>)
    %dma_wait3A_13 = tpu.memref_slice %arg4[%mul3A_2] : memref<16384xi32, #tpu.memory_space<hbm>> -> memref<512xi32, #tpu.memory_space<hbm>>
    %dma_wait3A_14 = tpu.memref_slice %arg4[%mul3A_2] : memref<16384xi32, #tpu.memory_space<hbm>> -> memref<512xi32, #tpu.memory_space<hbm>>
    tpu.wait_dma2 semaphore(%arg19 : memref<!tpu.dma_semaphore, #tpu.memory_space<semaphore_mem>>) src(%dma_wait3A_14 : memref<512xi32, #tpu.memory_space<hbm>>) dst(%arg13 : memref<512xi32, #tpu.memory_space<vmem>>)
    %dma_wait3A_15 = tpu.memref_slice %arg5[%mul3A_2] : memref<16384xi32, #tpu.memory_space<hbm>> -> memref<512xi32, #tpu.memory_space<hbm>>
    %dma_wait3A_16 = tpu.memref_slice %arg5[%mul3A_2] : memref<16384xi32, #tpu.memory_space<hbm>> -> memref<512xi32, #tpu.memory_space<hbm>>
    tpu.wait_dma2 semaphore(%arg19 : memref<!tpu.dma_semaphore, #tpu.memory_space<semaphore_mem>>) src(%dma_wait3A_16 : memref<512xi32, #tpu.memory_space<hbm>>) dst(%arg14 : memref<512xi32, #tpu.memory_space<vmem>>)
    %dma_start3A_17 = arith.constant 0 : i32
    %dma_start3A_18 = arith.constant 0 : i32
    %dma_start3A_19 = tpu.memref_slice %arg15[%dma_start3A_17, %dma_start3A_18] : memref<1x512xi32, #tpu.memory_space<vmem>> -> memref<1x512xi32, #tpu.memory_space<vmem>>
    %dma_start3A_20 = tpu.memref_squeeze %dma_start3A_19 : memref<1x512xi32, #tpu.memory_space<vmem>> -> memref<512xi32, #tpu.memory_space<vmem>>
    %dma_start3A_21 = arith.constant 0 : i32
    %dma_start3A_22 = tpu.memref_slice %arg6[%dma_start3A_21] : memref<1000000xi32, #tpu.memory_space<hbm>> -> memref<1000000xi32, #tpu.memory_space<hbm>>
    tpu.enqueue_indirect_dma source(%dma_start3A_22 : memref<1000000xi32, #tpu.memory_space<hbm>>) target(%dma_start3A_20 : memref<512xi32, #tpu.memory_space<vmem>>) offsets(%arg11 : memref<512xi32, #tpu.memory_space<vmem>>) semaphore(%arg19 : memref<!tpu.dma_semaphore, #tpu.memory_space<semaphore_mem>>)
    %dma_start3A_23 = arith.constant 0 : i32
    %dma_start3A_24 = tpu.memref_slice %arg7[%dma_start3A_23] : memref<1000000xf32, #tpu.memory_space<hbm>> -> memref<1000000xf32, #tpu.memory_space<hbm>>
    tpu.enqueue_indirect_dma source(%dma_start3A_24 : memref<1000000xf32, #tpu.memory_space<hbm>>) target(%arg16 : memref<512xf32, #tpu.memory_space<vmem>>) offsets(%arg11 : memref<512xi32, #tpu.memory_space<vmem>>) semaphore(%arg19 : memref<!tpu.dma_semaphore, #tpu.memory_space<semaphore_mem>>)
    %dma_start3A_25 = arith.constant 0 : i32
    %dma_start3A_26 = arith.constant 0 : i32
    %dma_start3A_27 = tpu.memref_slice %arg17[%dma_start3A_25, %dma_start3A_26] : memref<6x512xi32, #tpu.memory_space<vmem>> -> memref<1x512xi32, #tpu.memory_space<vmem>>
    %dma_start3A_28 = tpu.memref_squeeze %dma_start3A_27 : memref<1x512xi32, #tpu.memory_space<vmem>> -> memref<512xi32, #tpu.memory_space<vmem>>
    %dma_start3A_29 = arith.constant 0 : i32
    %dma_start3A_30 = tpu.memref_slice %arg8[%dma_start3A_29] : memref<1000000xi32, #tpu.memory_space<hbm>> -> memref<1000000xi32, #tpu.memory_space<hbm>>
    tpu.enqueue_indirect_dma source(%dma_start3A_30 : memref<1000000xi32, #tpu.memory_space<hbm>>) target(%dma_start3A_28 : memref<512xi32, #tpu.memory_space<vmem>>) offsets(%arg12 : memref<512xi32, #tpu.memory_space<vmem>>) semaphore(%arg19 : memref<!tpu.dma_semaphore, #tpu.memory_space<semaphore_mem>>)
    %dma_start3A_31 = arith.constant 1 : i32
    %dma_start3A_32 = arith.constant 0 : i32
    %dma_start3A_33 = tpu.memref_slice %arg17[%dma_start3A_31, %dma_start3A_32] : memref<6x512xi32, #tpu.memory_space<vmem>> -> memref<1x512xi32, #tpu.memory_space<vmem>>
    %dma_start3A_34 = tpu.memref_squeeze %dma_start3A_33 : memref<1x512xi32, #tpu.memory_space<vmem>> -> memref<512xi32, #tpu.memory_space<vmem>>
    %dma_start3A_35 = arith.constant 0 : i32
    %dma_start3A_36 = tpu.memref_slice %arg9[%dma_start3A_35] : memref<1000000xi32, #tpu.memory_space<hbm>> -> memref<1000000xi32, #tpu.memory_space<hbm>>
    tpu.enqueue_indirect_dma source(%dma_start3A_36 : memref<1000000xi32, #tpu.memory_space<hbm>>) target(%dma_start3A_34 : memref<512xi32, #tpu.memory_space<vmem>>) offsets(%arg12 : memref<512xi32, #tpu.memory_space<vmem>>) semaphore(%arg19 : memref<!tpu.dma_semaphore, #tpu.memory_space<semaphore_mem>>)
    %dma_start3A_37 = arith.constant 2 : i32
    %dma_start3A_38 = arith.constant 0 : i32
    %dma_start3A_39 = tpu.memref_slice %arg17[%dma_start3A_37, %dma_start3A_38] : memref<6x512xi32, #tpu.memory_space<vmem>> -> memref<1x512xi32, #tpu.memory_space<vmem>>
    %dma_start3A_40 = tpu.memref_squeeze %dma_start3A_39 : memref<1x512xi32, #tpu.memory_space<vmem>> -> memref<512xi32, #tpu.memory_space<vmem>>
    %dma_start3A_41 = arith.constant 0 : i32
    %dma_start3A_42 = tpu.memref_slice %arg8[%dma_start3A_41] : memref<1000000xi32, #tpu.memory_space<hbm>> -> memref<1000000xi32, #tpu.memory_space<hbm>>
    tpu.enqueue_indirect_dma source(%dma_start3A_42 : memref<1000000xi32, #tpu.memory_space<hbm>>) target(%dma_start3A_40 : memref<512xi32, #tpu.memory_space<vmem>>) offsets(%arg13 : memref<512xi32, #tpu.memory_space<vmem>>) semaphore(%arg19 : memref<!tpu.dma_semaphore, #tpu.memory_space<semaphore_mem>>)
    %dma_start3A_43 = arith.constant 3 : i32
    %dma_start3A_44 = arith.constant 0 : i32
    %dma_start3A_45 = tpu.memref_slice %arg17[%dma_start3A_43, %dma_start3A_44] : memref<6x512xi32, #tpu.memory_space<vmem>> -> memref<1x512xi32, #tpu.memory_space<vmem>>
    %dma_start3A_46 = tpu.memref_squeeze %dma_start3A_45 : memref<1x512xi32, #tpu.memory_space<vmem>> -> memref<512xi32, #tpu.memory_space<vmem>>
    %dma_start3A_47 = arith.constant 0 : i32
    %dma_start3A_48 = tpu.memref_slice %arg9[%dma_start3A_47] : memref<1000000xi32, #tpu.memory_space<hbm>> -> memref<1000000xi32, #tpu.memory_space<hbm>>
    tpu.enqueue_indirect_dma source(%dma_start3A_48 : memref<1000000xi32, #tpu.memory_space<hbm>>) target(%dma_start3A_46 : memref<512xi32, #tpu.memory_space<vmem>>) offsets(%arg13 : memref<512xi32, #tpu.memory_space<vmem>>) semaphore(%arg19 : memref<!tpu.dma_semaphore, #tpu.memory_space<semaphore_mem>>)
    %dma_start3A_49 = arith.constant 4 : i32
    %dma_start3A_50 = arith.constant 0 : i32
    %dma_start3A_51 = tpu.memref_slice %arg17[%dma_start3A_49, %dma_start3A_50] : memref<6x512xi32, #tpu.memory_space<vmem>> -> memref<1x512xi32, #tpu.memory_space<vmem>>
    %dma_start3A_52 = tpu.memref_squeeze %dma_start3A_51 : memref<1x512xi32, #tpu.memory_space<vmem>> -> memref<512xi32, #tpu.memory_space<vmem>>
    %dma_start3A_53 = arith.constant 0 : i32
    %dma_start3A_54 = tpu.memref_slice %arg8[%dma_start3A_53] : memref<1000000xi32, #tpu.memory_space<hbm>> -> memref<1000000xi32, #tpu.memory_space<hbm>>
    tpu.enqueue_indirect_dma source(%dma_start3A_54 : memref<1000000xi32, #tpu.memory_space<hbm>>) target(%dma_start3A_52 : memref<512xi32, #tpu.memory_space<vmem>>) offsets(%arg14 : memref<512xi32, #tpu.memory_space<vmem>>) semaphore(%arg19 : memref<!tpu.dma_semaphore, #tpu.memory_space<semaphore_mem>>)
    %dma_start3A_55 = arith.constant 5 : i32
    %dma_start3A_56 = arith.constant 0 : i32
    %dma_start3A_57 = tpu.memref_slice %arg17[%dma_start3A_55, %dma_start3A_56] : memref<6x512xi32, #tpu.memory_space<vmem>> -> memref<1x512xi32, #tpu.memory_space<vmem>>
    %dma_start3A_58 = tpu.memref_squeeze %dma_start3A_57 : memref<1x512xi32, #tpu.memory_space<vmem>> -> memref<512xi32, #tpu.memory_space<vmem>>
    %dma_start3A_59 = arith.constant 0 : i32
    %dma_start3A_60 = tpu.memref_slice %arg9[%dma_start3A_59] : memref<1000000xi32, #tpu.memory_space<hbm>> -> memref<1000000xi32, #tpu.memory_space<hbm>>
    tpu.enqueue_indirect_dma source(%dma_start3A_60 : memref<1000000xi32, #tpu.memory_space<hbm>>) target(%dma_start3A_58 : memref<512xi32, #tpu.memory_space<vmem>>) offsets(%arg14 : memref<512xi32, #tpu.memory_space<vmem>>) semaphore(%arg19 : memref<!tpu.dma_semaphore, #tpu.memory_space<semaphore_mem>>)
    %dma_wait3A_61 = arith.constant 0 : i32
    %dma_wait3A_62 = arith.constant 0 : i32
    %dma_wait3A_63 = tpu.memref_slice %arg15[%dma_wait3A_61, %dma_wait3A_62] : memref<1x512xi32, #tpu.memory_space<vmem>> -> memref<1x512xi32, #tpu.memory_space<vmem>>
    %dma_wait3A_64 = tpu.memref_squeeze %dma_wait3A_63 : memref<1x512xi32, #tpu.memory_space<vmem>> -> memref<512xi32, #tpu.memory_space<vmem>>
    %dma_wait3A_65 = arith.constant 0 : i32
    %dma_wait3A_66 = tpu.memref_slice %arg6[%dma_wait3A_65] : memref<1000000xi32, #tpu.memory_space<hbm>> -> memref<1000000xi32, #tpu.memory_space<hbm>>
    tpu.wait_indirect_dma semaphore(%arg19 : memref<!tpu.dma_semaphore, #tpu.memory_space<semaphore_mem>>) src(%dma_wait3A_66 : memref<1000000xi32, #tpu.memory_space<hbm>>) dst(%dma_wait3A_64 : memref<512xi32, #tpu.memory_space<vmem>>)
    %dma_wait3A_67 = arith.constant 0 : i32
    %dma_wait3A_68 = tpu.memref_slice %arg7[%dma_wait3A_67] : memref<1000000xf32, #tpu.memory_space<hbm>> -> memref<1000000xf32, #tpu.memory_space<hbm>>
    tpu.wait_indirect_dma semaphore(%arg19 : memref<!tpu.dma_semaphore, #tpu.memory_space<semaphore_mem>>) src(%dma_wait3A_68 : memref<1000000xf32, #tpu.memory_space<hbm>>) dst(%arg16 : memref<512xf32, #tpu.memory_space<vmem>>)
    %dma_wait3A_69 = arith.constant 0 : i32
    %dma_wait3A_70 = arith.constant 0 : i32
    %dma_wait3A_71 = tpu.memref_slice %arg17[%dma_wait3A_69, %dma_wait3A_70] : memref<6x512xi32, #tpu.memory_space<vmem>> -> memref<1x512xi32, #tpu.memory_space<vmem>>
    %dma_wait3A_72 = tpu.memref_squeeze %dma_wait3A_71 : memref<1x512xi32, #tpu.memory_space<vmem>> -> memref<512xi32, #tpu.memory_space<vmem>>
    %dma_wait3A_73 = arith.constant 0 : i32
    %dma_wait3A_74 = tpu.memref_slice %arg8[%dma_wait3A_73] : memref<1000000xi32, #tpu.memory_space<hbm>> -> memref<1000000xi32, #tpu.memory_space<hbm>>
    tpu.wait_indirect_dma semaphore(%arg19 : memref<!tpu.dma_semaphore, #tpu.memory_space<semaphore_mem>>) src(%dma_wait3A_74 : memref<1000000xi32, #tpu.memory_space<hbm>>) dst(%dma_wait3A_72 : memref<512xi32, #tpu.memory_space<vmem>>)
    %dma_wait3A_75 = arith.constant 1 : i32
    %dma_wait3A_76 = arith.constant 0 : i32
    %dma_wait3A_77 = tpu.memref_slice %arg17[%dma_wait3A_75, %dma_wait3A_76] : memref<6x512xi32, #tpu.memory_space<vmem>> -> memref<1x512xi32, #tpu.memory_space<vmem>>
    %dma_wait3A_78 = tpu.memref_squeeze %dma_wait3A_77 : memref<1x512xi32, #tpu.memory_space<vmem>> -> memref<512xi32, #tpu.memory_space<vmem>>
    %dma_wait3A_79 = arith.constant 0 : i32
    %dma_wait3A_80 = tpu.memref_slice %arg9[%dma_wait3A_79] : memref<1000000xi32, #tpu.memory_space<hbm>> -> memref<1000000xi32, #tpu.memory_space<hbm>>
    tpu.wait_indirect_dma semaphore(%arg19 : memref<!tpu.dma_semaphore, #tpu.memory_space<semaphore_mem>>) src(%dma_wait3A_80 : memref<1000000xi32, #tpu.memory_space<hbm>>) dst(%dma_wait3A_78 : memref<512xi32, #tpu.memory_space<vmem>>)
    %dma_wait3A_81 = arith.constant 2 : i32
    %dma_wait3A_82 = arith.constant 0 : i32
    %dma_wait3A_83 = tpu.memref_slice %arg17[%dma_wait3A_81, %dma_wait3A_82] : memref<6x512xi32, #tpu.memory_space<vmem>> -> memref<1x512xi32, #tpu.memory_space<vmem>>
    %dma_wait3A_84 = tpu.memref_squeeze %dma_wait3A_83 : memref<1x512xi32, #tpu.memory_space<vmem>> -> memref<512xi32, #tpu.memory_space<vmem>>
    %dma_wait3A_85 = arith.constant 0 : i32
    %dma_wait3A_86 = tpu.memref_slice %arg8[%dma_wait3A_85] : memref<1000000xi32, #tpu.memory_space<hbm>> -> memref<1000000xi32, #tpu.memory_space<hbm>>
    tpu.wait_indirect_dma semaphore(%arg19 : memref<!tpu.dma_semaphore, #tpu.memory_space<semaphore_mem>>) src(%dma_wait3A_86 : memref<1000000xi32, #tpu.memory_space<hbm>>) dst(%dma_wait3A_84 : memref<512xi32, #tpu.memory_space<vmem>>)
    %dma_wait3A_87 = arith.constant 3 : i32
    %dma_wait3A_88 = arith.constant 0 : i32
    %dma_wait3A_89 = tpu.memref_slice %arg17[%dma_wait3A_87, %dma_wait3A_88] : memref<6x512xi32, #tpu.memory_space<vmem>> -> memref<1x512xi32, #tpu.memory_space<vmem>>
    %dma_wait3A_90 = tpu.memref_squeeze %dma_wait3A_89 : memref<1x512xi32, #tpu.memory_space<vmem>> -> memref<512xi32, #tpu.memory_space<vmem>>
    %dma_wait3A_91 = arith.constant 0 : i32
    %dma_wait3A_92 = tpu.memref_slice %arg9[%dma_wait3A_91] : memref<1000000xi32, #tpu.memory_space<hbm>> -> memref<1000000xi32, #tpu.memory_space<hbm>>
    tpu.wait_indirect_dma semaphore(%arg19 : memref<!tpu.dma_semaphore, #tpu.memory_space<semaphore_mem>>) src(%dma_wait3A_92 : memref<1000000xi32, #tpu.memory_space<hbm>>) dst(%dma_wait3A_90 : memref<512xi32, #tpu.memory_space<vmem>>)
    %dma_wait3A_93 = arith.constant 4 : i32
    %dma_wait3A_94 = arith.constant 0 : i32
    %dma_wait3A_95 = tpu.memref_slice %arg17[%dma_wait3A_93, %dma_wait3A_94] : memref<6x512xi32, #tpu.memory_space<vmem>> -> memref<1x512xi32, #tpu.memory_space<vmem>>
    %dma_wait3A_96 = tpu.memref_squeeze %dma_wait3A_95 : memref<1x512xi32, #tpu.memory_space<vmem>> -> memref<512xi32, #tpu.memory_space<vmem>>
    %dma_wait3A_97 = arith.constant 0 : i32
    %dma_wait3A_98 = tpu.memref_slice %arg8[%dma_wait3A_97] : memref<1000000xi32, #tpu.memory_space<hbm>> -> memref<1000000xi32, #tpu.memory_space<hbm>>
    tpu.wait_indirect_dma semaphore(%arg19 : memref<!tpu.dma_semaphore, #tpu.memory_space<semaphore_mem>>) src(%dma_wait3A_98 : memref<1000000xi32, #tpu.memory_space<hbm>>) dst(%dma_wait3A_96 : memref<512xi32, #tpu.memory_space<vmem>>)
    %dma_wait3A_99 = arith.constant 5 : i32
    %dma_wait3A_100 = arith.constant 0 : i32
    %dma_wait3A_101 = tpu.memref_slice %arg17[%dma_wait3A_99, %dma_wait3A_100] : memref<6x512xi32, #tpu.memory_space<vmem>> -> memref<1x512xi32, #tpu.memory_space<vmem>>
    %dma_wait3A_102 = tpu.memref_squeeze %dma_wait3A_101 : memref<1x512xi32, #tpu.memory_space<vmem>> -> memref<512xi32, #tpu.memory_space<vmem>>
    %dma_wait3A_103 = arith.constant 0 : i32
    %dma_wait3A_104 = tpu.memref_slice %arg9[%dma_wait3A_103] : memref<1000000xi32, #tpu.memory_space<hbm>> -> memref<1000000xi32, #tpu.memory_space<hbm>>
    tpu.wait_indirect_dma semaphore(%arg19 : memref<!tpu.dma_semaphore, #tpu.memory_space<semaphore_mem>>) src(%dma_wait3A_104 : memref<1000000xi32, #tpu.memory_space<hbm>>) dst(%dma_wait3A_102 : memref<512xi32, #tpu.memory_space<vmem>>)
    %parallel_loop3A = arith.constant 0 : i32
    %parallel_loop3A_105 = arith.constant 512 : i32
    %parallel_loop3A_106 = arith.constant 16 : i32
    %parallel_loop3A_107 = arith.constant -65536 : i32
    scf.for %parallel_loop3A_108 = %parallel_loop3A to %parallel_loop3A_105 step %parallel_loop3A_106  : i32 {
      %parallel_loop3A_109 = arith.constant 0 : i32
      %parallel_loop3A_110 = arith.index_cast %parallel_loop3A_109 : i32 to index
      %parallel_loop3A_111 = arith.index_cast %parallel_loop3A_108 : i32 to index
      %parallel_loop3A_112 = tpu.vector_load %arg15[%parallel_loop3A_110, %parallel_loop3A_111] {strides = array<i32>} : memref<1x512xi32, #tpu.memory_space<vmem>>, vector<16xi32>,
      %parallel_loop3A_113 = arith.constant 16 : i32
      %parallel_loop3A_114 = vector.broadcast %parallel_loop3A_113 : i32 to vector<16xi32>
      %parallel_loop3A_115 = arith.shli %parallel_loop3A_112, %parallel_loop3A_114 : vector<16xi32>
      %parallel_loop3A_116 = vector.bitcast %parallel_loop3A_115 : vector<16xi32> to vector<16xf32>
      %parallel_loop3A_117 = vector.broadcast %parallel_loop3A_107 : i32 to vector<16xi32>
      %parallel_loop3A_118 = arith.andi %parallel_loop3A_112, %parallel_loop3A_117 : vector<16xi32>
      %parallel_loop3A_119 = vector.bitcast %parallel_loop3A_118 : vector<16xi32> to vector<16xf32>
      %parallel_loop3A_120 = arith.index_cast %parallel_loop3A_108 : i32 to index
      %parallel_loop3A_121 = tpu.vector_load %arg16[%parallel_loop3A_120] {strides = array<i32>} : memref<512xf32, #tpu.memory_space<vmem>>, vector<16xf32>,
      %parallel_loop3A_122 = arith.constant 0 : i32
      %parallel_loop3A_123 = arith.index_cast %parallel_loop3A_122 : i32 to index
      %parallel_loop3A_124 = arith.index_cast %parallel_loop3A_108 : i32 to index
      %parallel_loop3A_125 = tpu.vector_load %arg17[%parallel_loop3A_123, %parallel_loop3A_124] {strides = array<i32>} : memref<6x512xi32, #tpu.memory_space<vmem>>, vector<16xi32>,
      %parallel_loop3A_126 = arith.constant 1 : i32
      %parallel_loop3A_127 = arith.index_cast %parallel_loop3A_126 : i32 to index
      %parallel_loop3A_128 = arith.index_cast %parallel_loop3A_108 : i32 to index
      %parallel_loop3A_129 = tpu.vector_load %arg17[%parallel_loop3A_127, %parallel_loop3A_128] {strides = array<i32>} : memref<6x512xi32, #tpu.memory_space<vmem>>, vector<16xi32>,
      %parallel_loop3A_130 = arith.constant 16 : i32
      %parallel_loop3A_131 = vector.broadcast %parallel_loop3A_130 : i32 to vector<16xi32>
      %parallel_loop3A_132 = arith.shli %parallel_loop3A_125, %parallel_loop3A_131 : vector<16xi32>
      %parallel_loop3A_133 = vector.bitcast %parallel_loop3A_132 : vector<16xi32> to vector<16xf32>
      %parallel_loop3A_134 = arith.mulf %parallel_loop3A_116, %parallel_loop3A_133 : vector<16xf32>
      %parallel_loop3A_135 = vector.broadcast %parallel_loop3A_107 : i32 to vector<16xi32>
      %parallel_loop3A_136 = arith.andi %parallel_loop3A_125, %parallel_loop3A_135 : vector<16xi32>
      %parallel_loop3A_137 = vector.bitcast %parallel_loop3A_136 : vector<16xi32> to vector<16xf32>
      %parallel_loop3A_138 = arith.mulf %parallel_loop3A_119, %parallel_loop3A_137 : vector<16xf32>
      %parallel_loop3A_139 = arith.addf %parallel_loop3A_134, %parallel_loop3A_138 : vector<16xf32>
      %parallel_loop3A_140 = arith.constant 16 : i32
      %parallel_loop3A_141 = vector.broadcast %parallel_loop3A_140 : i32 to vector<16xi32>
      %parallel_loop3A_142 = arith.shli %parallel_loop3A_129, %parallel_loop3A_141 : vector<16xi32>
      %parallel_loop3A_143 = vector.bitcast %parallel_loop3A_142 : vector<16xi32> to vector<16xf32>
      %parallel_loop3A_144 = arith.mulf %parallel_loop3A_121, %parallel_loop3A_143 : vector<16xf32>
      %parallel_loop3A_145 = arith.addf %parallel_loop3A_139, %parallel_loop3A_144 : vector<16xf32>
      %parallel_loop3A_146 = math.exp %parallel_loop3A_145 : vector<16xf32>
      %parallel_loop3A_147 = vector.broadcast %parallel_loop3A_107 : i32 to vector<16xi32>
      %parallel_loop3A_148 = arith.andi %parallel_loop3A_129, %parallel_loop3A_147 : vector<16xi32>
      %parallel_loop3A_149 = vector.bitcast %parallel_loop3A_148 : vector<16xi32> to vector<16xf32>
      %parallel_loop3A_150 = arith.constant 2 : i32
      %parallel_loop3A_151 = arith.index_cast %parallel_loop3A_150 : i32 to index
      %parallel_loop3A_152 = arith.index_cast %parallel_loop3A_108 : i32 to index
      %parallel_loop3A_153 = tpu.vector_load %arg17[%parallel_loop3A_151, %parallel_loop3A_152] {strides = array<i32>} : memref<6x512xi32, #tpu.memory_space<vmem>>, vector<16xi32>,
      %parallel_loop3A_154 = arith.constant 3 : i32
      %parallel_loop3A_155 = arith.index_cast %parallel_loop3A_154 : i32 to index
      %parallel_loop3A_156 = arith.index_cast %parallel_loop3A_108 : i32 to index
      %parallel_loop3A_157 = tpu.vector_load %arg17[%parallel_loop3A_155, %parallel_loop3A_156] {strides = array<i32>} : memref<6x512xi32, #tpu.memory_space<vmem>>, vector<16xi32>,
      %parallel_loop3A_158 = arith.constant 16 : i32
      %parallel_loop3A_159 = vector.broadcast %parallel_loop3A_158 : i32 to vector<16xi32>
      %parallel_loop3A_160 = arith.shli %parallel_loop3A_153, %parallel_loop3A_159 : vector<16xi32>
      %parallel_loop3A_161 = vector.bitcast %parallel_loop3A_160 : vector<16xi32> to vector<16xf32>
      %parallel_loop3A_162 = arith.mulf %parallel_loop3A_116, %parallel_loop3A_161 : vector<16xf32>
      %parallel_loop3A_163 = vector.broadcast %parallel_loop3A_107 : i32 to vector<16xi32>
      %parallel_loop3A_164 = arith.andi %parallel_loop3A_153, %parallel_loop3A_163 : vector<16xi32>
      %parallel_loop3A_165 = vector.bitcast %parallel_loop3A_164 : vector<16xi32> to vector<16xf32>
      %parallel_loop3A_166 = arith.mulf %parallel_loop3A_119, %parallel_loop3A_165 : vector<16xf32>
      %parallel_loop3A_167 = arith.addf %parallel_loop3A_162, %parallel_loop3A_166 : vector<16xf32>
      %parallel_loop3A_168 = arith.constant 16 : i32
      %parallel_loop3A_169 = vector.broadcast %parallel_loop3A_168 : i32 to vector<16xi32>
      %parallel_loop3A_170 = arith.shli %parallel_loop3A_157, %parallel_loop3A_169 : vector<16xi32>
      %parallel_loop3A_171 = vector.bitcast %parallel_loop3A_170 : vector<16xi32> to vector<16xf32>
      %parallel_loop3A_172 = arith.mulf %parallel_loop3A_121, %parallel_loop3A_171 : vector<16xf32>
      %parallel_loop3A_173 = arith.addf %parallel_loop3A_167, %parallel_loop3A_172 : vector<16xf32>
      %parallel_loop3A_174 = math.exp %parallel_loop3A_173 : vector<16xf32>
      %parallel_loop3A_175 = vector.broadcast %parallel_loop3A_107 : i32 to vector<16xi32>
      %parallel_loop3A_176 = arith.andi %parallel_loop3A_157, %parallel_loop3A_175 : vector<16xi32>
      %parallel_loop3A_177 = vector.bitcast %parallel_loop3A_176 : vector<16xi32> to vector<16xf32>
      %parallel_loop3A_178 = arith.constant 4 : i32
      %parallel_loop3A_179 = arith.index_cast %parallel_loop3A_178 : i32 to index
      %parallel_loop3A_180 = arith.index_cast %parallel_loop3A_108 : i32 to index
      %parallel_loop3A_181 = tpu.vector_load %arg17[%parallel_loop3A_179, %parallel_loop3A_180] {strides = array<i32>} : memref<6x512xi32, #tpu.memory_space<vmem>>, vector<16xi32>,
      %parallel_loop3A_182 = arith.constant 5 : i32
      %parallel_loop3A_183 = arith.index_cast %parallel_loop3A_182 : i32 to index
      %parallel_loop3A_184 = arith.index_cast %parallel_loop3A_108 : i32 to index
      %parallel_loop3A_185 = tpu.vector_load %arg17[%parallel_loop3A_183, %parallel_loop3A_184] {strides = array<i32>} : memref<6x512xi32, #tpu.memory_space<vmem>>, vector<16xi32>,
      %parallel_loop3A_186 = arith.constant 16 : i32
      %parallel_loop3A_187 = vector.broadcast %parallel_loop3A_186 : i32 to vector<16xi32>
      %parallel_loop3A_188 = arith.shli %parallel_loop3A_181, %parallel_loop3A_187 : vector<16xi32>
      %parallel_loop3A_189 = vector.bitcast %parallel_loop3A_188 : vector<16xi32> to vector<16xf32>
      %parallel_loop3A_190 = arith.mulf %parallel_loop3A_116, %parallel_loop3A_189 : vector<16xf32>
      %parallel_loop3A_191 = vector.broadcast %parallel_loop3A_107 : i32 to vector<16xi32>
      %parallel_loop3A_192 = arith.andi %parallel_loop3A_181, %parallel_loop3A_191 : vector<16xi32>
      %parallel_loop3A_193 = vector.bitcast %parallel_loop3A_192 : vector<16xi32> to vector<16xf32>
      %parallel_loop3A_194 = arith.mulf %parallel_loop3A_119, %parallel_loop3A_193 : vector<16xf32>
      %parallel_loop3A_195 = arith.addf %parallel_loop3A_190, %parallel_loop3A_194 : vector<16xf32>
      %parallel_loop3A_196 = arith.constant 16 : i32
      %parallel_loop3A_197 = vector.broadcast %parallel_loop3A_196 : i32 to vector<16xi32>
      %parallel_loop3A_198 = arith.shli %parallel_loop3A_185, %parallel_loop3A_197 : vector<16xi32>
      %parallel_loop3A_199 = vector.bitcast %parallel_loop3A_198 : vector<16xi32> to vector<16xf32>
      %parallel_loop3A_200 = arith.mulf %parallel_loop3A_121, %parallel_loop3A_199 : vector<16xf32>
      %parallel_loop3A_201 = arith.addf %parallel_loop3A_195, %parallel_loop3A_200 : vector<16xf32>
      %parallel_loop3A_202 = math.exp %parallel_loop3A_201 : vector<16xf32>
      %parallel_loop3A_203 = vector.broadcast %parallel_loop3A_107 : i32 to vector<16xi32>
      %parallel_loop3A_204 = arith.andi %parallel_loop3A_185, %parallel_loop3A_203 : vector<16xi32>
      %parallel_loop3A_205 = vector.bitcast %parallel_loop3A_204 : vector<16xi32> to vector<16xf32>
      %parallel_loop3A_206 = arith.mulf %parallel_loop3A_146, %parallel_loop3A_149 : vector<16xf32>
      %parallel_loop3A_207 = arith.mulf %parallel_loop3A_174, %parallel_loop3A_177 : vector<16xf32>
      %parallel_loop3A_208 = arith.addf %parallel_loop3A_206, %parallel_loop3A_207 : vector<16xf32>
      %parallel_loop3A_209 = arith.mulf %parallel_loop3A_202, %parallel_loop3A_205 : vector<16xf32>
      %parallel_loop3A_210 = arith.addf %parallel_loop3A_208, %parallel_loop3A_209 : vector<16xf32>
      %parallel_loop3A_211 = arith.addf %parallel_loop3A_146, %parallel_loop3A_174 : vector<16xf32>
      %parallel_loop3A_212 = arith.addf %parallel_loop3A_211, %parallel_loop3A_202 : vector<16xf32>
      %parallel_loop3A_213 = arith.divf %parallel_loop3A_210, %parallel_loop3A_212 : vector<16xf32>
      %parallel_loop3A_214 = arith.index_cast %parallel_loop3A_108 : i32 to index
      %parallel_loop3A_215 = tpu.vector_load %arg18[%parallel_loop3A_214] {strides = array<i32>} : memref<512xf32, #tpu.memory_space<vmem>>, vector<16xf32>,
      tpu.vector_store %arg18[%parallel_loop3A_214], %parallel_loop3A_213 {strides = array<i32>} : memref<512xf32, #tpu.memory_space<vmem>>, vector<16xf32>,
    } {sc.loop_unroll_factor = 4 : i64, sc.parallel_access}
    "tpu.region"() ({
      %run_scoped3A = tpu.sem_alloc : memref<!tpu.dma_semaphore, #tpu.memory_space<semaphore_mem>>
      %dma_start3A_108 = tpu.memref_slice %arg10[%mul3A_2] : memref<16384xf32, #tpu.memory_space<hbm>> -> memref<512xf32, #tpu.memory_space<hbm>>
      %dma_start3A_109 = tpu.memref_slice %arg10[%mul3A_2] : memref<16384xf32, #tpu.memory_space<hbm>> -> memref<512xf32, #tpu.memory_space<hbm>>
      tpu.enqueue_dma source(%arg18 : memref<512xf32, #tpu.memory_space<vmem>>) target(%dma_start3A_109 : memref<512xf32, #tpu.memory_space<hbm>>) target_semaphore(%run_scoped3A : memref<!tpu.dma_semaphore, #tpu.memory_space<semaphore_mem>>)
      %dma_wait3A_110 = tpu.memref_slice %arg10[%mul3A_2] : memref<16384xf32, #tpu.memory_space<hbm>> -> memref<512xf32, #tpu.memory_space<hbm>>
      %dma_wait3A_111 = tpu.memref_slice %arg10[%mul3A_2] : memref<16384xf32, #tpu.memory_space<hbm>> -> memref<512xf32, #tpu.memory_space<hbm>>
      tpu.wait_dma2 semaphore(%run_scoped3A : memref<!tpu.dma_semaphore, #tpu.memory_space<semaphore_mem>>) src(%arg18 : memref<512xf32, #tpu.memory_space<vmem>>) dst(%dma_wait3A_111 : memref<512xf32, #tpu.memory_space<hbm>>)
      tpu.yield
    }) : () -> ()
    return
  }
}

module attributes {stable_mosaic.version = 14 : i64} {
  func.func @_detile_body(%arg0: i32, %arg1: memref<3x262144xf32, #tpu.memory_space<vmem>>, %arg2: memref<3x262144xf32, #tpu.memory_space<vmem>>, %arg3: memref<3x262144xf32, #tpu.memory_space<vmem>>, %arg4: memref<262144xi32, #tpu.memory_space<vmem>>, %arg5: memref<262144xf32, #tpu.memory_space<vmem>>, %arg6: memref<262144xi32, #tpu.memory_space<vmem>>, %arg7: memref<262144xi32, #tpu.memory_space<vmem>>) attributes {dimension_semantics = [#tpu.dimension_semantics<arbitrary>], iteration_bounds = array<i64: 4>, scalar_prefetch = 0 : i64, scratch_operands = 0 : i64, tpu.core_type = #tpu.core_type<tc>, window_params = [{transform_indices = @transform_0, window_bounds = array<i64: 3, 262144>}, {transform_indices = @transform_1, window_bounds = array<i64: 3, 262144>}, {transform_indices = @transform_2, window_bounds = array<i64: 3, 262144>}, {transform_indices = @transform_3, window_bounds = array<i64: 262144>}, {transform_indices = @transform_4, window_bounds = array<i64: 262144>}, {transform_indices = @transform_5, window_bounds = array<i64: 262144>}, {transform_indices = @transform_6, window_bounds = array<i64: 262144>}]} {
    %get3A = arith.constant 0 : index
    %get3A_0 = arith.constant 0 : index
    %get3A_1 = vector.load %arg1[%get3A, %get3A_0] : memref<3x262144xf32, #tpu.memory_space<vmem>>, vector<1x262144xf32>
    %get3A_2 = vector.shape_cast %get3A_1 : vector<1x262144xf32> to vector<262144xf32>
    %get3A_3 = arith.constant 1 : index
    %get3A_4 = arith.constant 0 : index
    %get3A_5 = vector.load %arg1[%get3A_3, %get3A_4] : memref<3x262144xf32, #tpu.memory_space<vmem>>, vector<1x262144xf32>
    %get3A_6 = vector.shape_cast %get3A_5 : vector<1x262144xf32> to vector<262144xf32>
    %bitcast_convert_type3A = tpu.bitcast %get3A_2 : vector<262144xf32> -> vector<262144xi32>
    %bitcast_convert_type3A_7 = tpu.bitcast %get3A_6 : vector<262144xf32> -> vector<262144xi32>
    %shift_right_logical3A = arith.constant 16 : i32
    %shift_right_logical3A_8 = vector.broadcast %shift_right_logical3A : i32 to vector<262144xi32>
    %shift_right_logical3A_9 = arith.shrui %bitcast_convert_type3A, %shift_right_logical3A_8 : vector<262144xi32>
    %and3A = arith.constant -65536 : i32
    %and3A_10 = vector.broadcast %and3A : i32 to vector<262144xi32>
    %and3A_11 = arith.andi %bitcast_convert_type3A_7, %and3A_10 : vector<262144xi32>
    %or3A = arith.ori %shift_right_logical3A_9, %and3A_11 : vector<262144xi32>
    %bitcast_convert_type3A_12 = tpu.bitcast %or3A : vector<262144xi32> -> vector<262144xi32>
    %swap3A = arith.constant 0 : index
    %swap3A_13 = vector.load %arg4[%swap3A] : memref<262144xi32, #tpu.memory_space<vmem>>, vector<262144xi32>
    tpu.vector_store %arg4[%swap3A], %bitcast_convert_type3A_12 {strides = array<i32>} : memref<262144xi32, #tpu.memory_space<vmem>>, vector<262144xi32>,
    %get3A_14 = arith.constant 2 : index
    %get3A_15 = arith.constant 0 : index
    %get3A_16 = vector.load %arg1[%get3A_14, %get3A_15] : memref<3x262144xf32, #tpu.memory_space<vmem>>, vector<1x262144xf32>
    %get3A_17 = vector.shape_cast %get3A_16 : vector<1x262144xf32> to vector<262144xf32>
    %swap3A_18 = arith.constant 0 : index
    %swap3A_19 = vector.load %arg5[%swap3A_18] : memref<262144xf32, #tpu.memory_space<vmem>>, vector<262144xf32>
    tpu.vector_store %arg5[%swap3A_18], %get3A_17 {strides = array<i32>} : memref<262144xf32, #tpu.memory_space<vmem>>, vector<262144xf32>,
    %get3A_20 = arith.constant 0 : index
    %get3A_21 = arith.constant 0 : index
    %get3A_22 = vector.load %arg2[%get3A_20, %get3A_21] : memref<3x262144xf32, #tpu.memory_space<vmem>>, vector<1x262144xf32>
    %get3A_23 = vector.shape_cast %get3A_22 : vector<1x262144xf32> to vector<262144xf32>
    %get3A_24 = arith.constant 1 : index
    %get3A_25 = arith.constant 0 : index
    %get3A_26 = vector.load %arg2[%get3A_24, %get3A_25] : memref<3x262144xf32, #tpu.memory_space<vmem>>, vector<1x262144xf32>
    %get3A_27 = vector.shape_cast %get3A_26 : vector<1x262144xf32> to vector<262144xf32>
    %bitcast_convert_type3A_28 = tpu.bitcast %get3A_23 : vector<262144xf32> -> vector<262144xi32>
    %bitcast_convert_type3A_29 = tpu.bitcast %get3A_27 : vector<262144xf32> -> vector<262144xi32>
    %shift_right_logical3A_30 = arith.constant 16 : i32
    %shift_right_logical3A_31 = vector.broadcast %shift_right_logical3A_30 : i32 to vector<262144xi32>
    %shift_right_logical3A_32 = arith.shrui %bitcast_convert_type3A_28, %shift_right_logical3A_31 : vector<262144xi32>
    %and3A_33 = arith.constant -65536 : i32
    %and3A_34 = vector.broadcast %and3A_33 : i32 to vector<262144xi32>
    %and3A_35 = arith.andi %bitcast_convert_type3A_29, %and3A_34 : vector<262144xi32>
    %or3A_36 = arith.ori %shift_right_logical3A_32, %and3A_35 : vector<262144xi32>
    %bitcast_convert_type3A_37 = tpu.bitcast %or3A_36 : vector<262144xi32> -> vector<262144xi32>
    %swap3A_38 = arith.constant 0 : index
    %swap3A_39 = vector.load %arg6[%swap3A_38] : memref<262144xi32, #tpu.memory_space<vmem>>, vector<262144xi32>
    tpu.vector_store %arg6[%swap3A_38], %bitcast_convert_type3A_37 {strides = array<i32>} : memref<262144xi32, #tpu.memory_space<vmem>>, vector<262144xi32>,
    %get3A_40 = arith.constant 0 : index
    %get3A_41 = arith.constant 0 : index
    %get3A_42 = vector.load %arg3[%get3A_40, %get3A_41] : memref<3x262144xf32, #tpu.memory_space<vmem>>, vector<1x262144xf32>
    %get3A_43 = vector.shape_cast %get3A_42 : vector<1x262144xf32> to vector<262144xf32>
    %get3A_44 = arith.constant 1 : index
    %get3A_45 = arith.constant 0 : index
    %get3A_46 = vector.load %arg3[%get3A_44, %get3A_45] : memref<3x262144xf32, #tpu.memory_space<vmem>>, vector<1x262144xf32>
    %get3A_47 = vector.shape_cast %get3A_46 : vector<1x262144xf32> to vector<262144xf32>
    %add3A = arith.addf %get3A_43, %get3A_47 : vector<262144xf32>
    %get3A_48 = arith.constant 2 : index
    %get3A_49 = arith.constant 0 : index
    %get3A_50 = vector.load %arg3[%get3A_48, %get3A_49] : memref<3x262144xf32, #tpu.memory_space<vmem>>, vector<1x262144xf32>
    %get3A_51 = vector.shape_cast %get3A_50 : vector<1x262144xf32> to vector<262144xf32>
    %add3A_52 = arith.addf %add3A, %get3A_51 : vector<262144xf32>
    %get3A_53 = arith.constant 2 : index
    %get3A_54 = arith.constant 0 : index
    %get3A_55 = vector.load %arg2[%get3A_53, %get3A_54] : memref<3x262144xf32, #tpu.memory_space<vmem>>, vector<1x262144xf32>
    %get3A_56 = vector.shape_cast %get3A_55 : vector<1x262144xf32> to vector<262144xf32>
    %bitcast_convert_type3A_57 = tpu.bitcast %get3A_56 : vector<262144xf32> -> vector<262144xi32>
    %bitcast_convert_type3A_58 = tpu.bitcast %add3A_52 : vector<262144xf32> -> vector<262144xi32>
    %shift_right_logical3A_59 = arith.constant 16 : i32
    %shift_right_logical3A_60 = vector.broadcast %shift_right_logical3A_59 : i32 to vector<262144xi32>
    %shift_right_logical3A_61 = arith.shrui %bitcast_convert_type3A_57, %shift_right_logical3A_60 : vector<262144xi32>
    %and3A_62 = arith.constant -65536 : i32
    %and3A_63 = vector.broadcast %and3A_62 : i32 to vector<262144xi32>
    %and3A_64 = arith.andi %bitcast_convert_type3A_58, %and3A_63 : vector<262144xi32>
    %or3A_65 = arith.ori %shift_right_logical3A_61, %and3A_64 : vector<262144xi32>
    %bitcast_convert_type3A_66 = tpu.bitcast %or3A_65 : vector<262144xi32> -> vector<262144xi32>
    %swap3A_67 = arith.constant 0 : index
    %swap3A_68 = vector.load %arg7[%swap3A_67] : memref<262144xi32, #tpu.memory_space<vmem>>, vector<262144xi32>
    tpu.vector_store %arg7[%swap3A_67], %bitcast_convert_type3A_66 {strides = array<i32>} : memref<262144xi32, #tpu.memory_space<vmem>>, vector<262144xi32>,
    return
  }
  func.func @transform_0(%arg0: i32) -> (i32, i32) {
    %c0_i32 = arith.constant 0 : i32
    %c0_i32_0 = arith.constant 0 : i32
    return %c0_i32, %arg0 : i32, i32
  }
  func.func @transform_1(%arg0: i32) -> (i32, i32) {
    %c0_i32 = arith.constant 0 : i32
    %c0_i32_0 = arith.constant 0 : i32
    return %c0_i32, %arg0 : i32, i32
  }
  func.func @transform_2(%arg0: i32) -> (i32, i32) {
    %c0_i32 = arith.constant 0 : i32
    %c0_i32_0 = arith.constant 0 : i32
    return %c0_i32, %arg0 : i32, i32
  }
  func.func @transform_3(%arg0: i32) -> i32 {
    %c0_i32 = arith.constant 0 : i32
    return %arg0 : i32
  }
  func.func @transform_4(%arg0: i32) -> i32 {
    %c0_i32 = arith.constant 0 : i32
    return %arg0 : i32
  }
  func.func @transform_5(%arg0: i32) -> i32 {
    %c0_i32 = arith.constant 0 : i32
    return %arg0 : i32
  }
  func.func @transform_6(%arg0: i32) -> i32 {
    %c0_i32 = arith.constant 0 : i32
    return %arg0 : i32
  }
}

</mosaic_0001>

<sc_bundles>
// kernel: kernel.4.cloned.1.call-start
scs
__scs_entry_jumppad:
0x0: {  	(pc) =	sbr.rel $0x88, $3  }
0x1: {  	(tag) =	ssettag $0x0;
	lr =	simm.s32 $0x1  }
0x2: {  	[smem:$0x3F9A] =	sst lr;
	_ =	strace $0xD0000000  }
0x3: {  	_ = 	snop  }
0x4: {  	_ = 	snop  }
0x5: {  	_ = 	snop  }
0x6: {  	_ = 	snop  }
0x7: {  	_ = 	snop  }
__scs_overlays_trampoline_lowered:
0x8: {  	[smem:$0x3FA9] =	sst s0  }
0x9: {  	[smem:$0x3FAA] =	sst s1  }
0xa: {  	[smem:$0x3FAB] =	sst s2  }
0xb: {  	[smem:$0x3FAC] =	sst s3  }
0xc: {  	[smem:$0x3FAD] =	sst s4  }
0xd: {  	[smem:$0x3FAE] =	sst s5  }
0xe: {  	[smem:$0x3FAF] =	sst s6  }
0xf: {  	[smem:$0x3FB0] =	sst s7  }
0x10: {  	[smem:$0x3FB1] =	sst s8  }
0x11: {  	[smem:$0x3FB2] =	sst s9;
	s0 =	simm.s32 @!p0 $0x0  }
0x12: {  	s1 =	sld [smem:$0x3F98];
	s0 =	simm.s32 @p0 $0x1  }
0x13: {  	[smem:$0x3FB3] =	sst s0;
	s0 =	simm.s32 @!p1 $0x0  }
0x14: {  	s2 =	sld [smem:$0x3F97];
	s0 =	simm.s32 @p1 $0x1  }
0x15: {  	[smem:$0x3FB4] =	sst s0;
	s0 =	simm.s32 @!p2 $0x0  }
0x16: {  	s3 =	sld [smem:$0x3FDB];
	s0 =	simm.s32 @p2 $0x1  }
0x17: {  	s4 =	simm.s32 $0x1BF5;
	[smem:$0x3FB6] =	sst s0  }
0x18: {  	s0 =	sld [smem:$0x3F99];
	_ =	swait.ge [sflag:s4], $0x0  }
0x19: {  	s7 =	sld [smem:$0x3F9A]  }
0x1a: {  	s8 =	sadd.s32 $0xFFFFE003, lr  }
0x1b: {  	s9 =	sadd.s32 $0xFFFFFEF7, lr;
	s5 =	simm.s32 $0xFFFFFFFF;
	p2 =	slt.u32 s8, $0xFFFFF086  }
0x1c: {  	p1 =	slt.u32 s9, $0xF7A;
	s5 =	simm.s32 @!p2 $0x0  }
0x1d: {  	s5 =	simm.s32 @p1 $0x1;
	p0 =	seq.s32 s7, s2  }
0x1e: {  	s7 =	smul.u32 @!p0 $0xF7A, s2;
	p2 =	seq.s32 @!p0 s5, $0x0  }
0x1f: {  	s9 =	smul.u32 $0xF7A, s1;
	s8 =	simm.s32 @!p0 $0x1BF5;
	p2 =	por !p2, p0  }
0x20: {  	[sflag:s8] =	ssyncset.s32 @!p0 $0xFFFFF086;
	s6 =	sadd.s32 @!p0 s3, s7;
	s7 =	simm.s32 @!p0 $0x108  }
0x21: {  	s3 =	sadd.s32 s3, s9;
	s6 =	sadd.s32 @!p0 $0x88, s6;
	s7 =	simm.s32 @p2 $0x1082  }
0x22: {  	[simem:s7], [sflag:s8] =	dma.local @!p0 [hbm:s6], $0xF7A  }
0x23: {  	s9 =	sor.u32 $0xD0000000, s2;
	s6 =	simm.s32 $0x108;
	_ =	swait.ge @!p0 [sflag:s8], $0x0  }
0x24: {  	s3 =	sadd.s32 $0x88, s3;
	s6 =	simm.s32 @!p1 $0x1082;
	[sflag:s4] =	ssyncset.s32 $0xFFFFF086  }
0x25: {  	[simem:s6], [sflag:s4] =	dma.local [hbm:s3], $0xF7A  }
0x26: {  	[smem:$0x3F9A] =	sst s1;
	(tag) =	ssettag s2;
	_ =	strace s9  }
0x27: {  	s1 =	sld [smem:$0x3FAA]  }
0x28: {  	s2 =	sld [smem:$0x3FAB]  }
0x29: {  	s4 =	sld [smem:$0x3FAD]  }
0x2a: {  	p0 =	seq.s32 s5, $0x0;
	s5 =	sld [smem:$0x3FAE]  }
0x2b: {  	s6 =	sld [smem:$0x3FAF]  }
0x2c: {  	s7 =	sld [smem:$0x3FB0]  }
0x2d: {  	s3 =	simm.s32 $0x108;
	s8 =	sld [smem:$0x3FB1]  }
0x2e: {  	s3 =	simm.s32 @!p0 $0x1082;
	s9 =	sld [smem:$0x3FB2]  }
0x2f: {  	lr =	sadd.s32 s0, s3;
	s0 =	sld [smem:$0x3FA9]  }
0x30: {  	s3 =	sld [smem:$0x3FAC]  }
0x31: {  	[smem:$0x3FB5] =	sst s10  }
0x32: {  	s10 =	sld [smem:$0x3FB3];
	_ =	sdelay $0x3  }
0x33: {  	p0 =	seq.s32 s10, $0x1;
	s10 =	sld [smem:$0x3FB5];
	_ =	sdelay $0x3  }
0x34: {  	[smem:$0x3FB5] =	sst s10  }
0x35: {  	s10 =	sld [smem:$0x3FB4];
	_ =	sdelay $0x3  }
0x36: {  	p1 =	seq.s32 s10, $0x1;
	s10 =	sld [smem:$0x3FB5];
	_ =	sdelay $0x3  }
0x37: {  	[smem:$0x3FB5] =	sst s10  }
0x38: {  	s10 =	sld [smem:$0x3FB6]  }
0x39: {  	_ = 	snop;
	(pc) =	sbr.ind lr, $3  }
0x3a: {  	_ = 	snop  }
0x3b: {  	_ = 	snop  }
0x3c: {  	p2 =	seq.s32 s10, $0x1;
	s10 =	sld [smem:$0x3FB5]  }
0x3d: {  	_ =	shalt  }
0x3e: {  	_ =	shalt  }
0x3f: {  	_ =	shalt  }
0x40: {  	_ =	shalt  }
0x41: {  	_ =	shalt  }
0x42: {  	_ =	shalt  }
0x43: {  	_ =	shalt  }
0x44: {  	_ =	shalt  }
0x45: {  	_ =	shalt  }
0x46: {  	_ =	shalt  }
0x47: {  	_ =	shalt  }
0x48: {  	_ =	shalt  }
0x49: {  	_ =	shalt  }
0x4a: {  	_ =	shalt  }
0x4b: {  	_ =	shalt  }
0x4c: {  	_ =	shalt  }
0x4d: {  	_ =	shalt  }
0x4e: {  	_ =	shalt  }
0x4f: {  	_ =	shalt  }
0x50: {  	_ =	shalt  }
0x51: {  	_ =	shalt  }
0x52: {  	_ =	shalt  }
0x53: {  	_ =	shalt  }
0x54: {  	_ =	shalt  }
0x55: {  	_ =	shalt  }
0x56: {  	_ =	shalt  }
0x57: {  	_ =	shalt  }
0x58: {  	_ =	shalt  }
0x59: {  	_ =	shalt  }
0x5a: {  	_ =	shalt  }
0x5b: {  	_ =	shalt  }
0x5c: {  	_ =	shalt  }
0x5d: {  	_ =	shalt  }
0x5e: {  	_ =	shalt  }
0x5f: {  	_ =	shalt  }
0x60: {  	_ =	shalt  }
0x61: {  	_ =	shalt  }
0x62: {  	_ =	shalt  }
0x63: {  	_ =	shalt  }
0x64: {  	_ =	shalt  }
0x65: {  	_ =	shalt  }
0x66: {  	_ =	shalt  }
0x67: {  	_ =	shalt  }
0x68: {  	_ =	shalt  }
0x69: {  	_ =	shalt  }
0x6a: {  	_ =	shalt  }
0x6b: {  	_ =	shalt  }
0x6c: {  	_ =	shalt  }
0x6d: {  	_ =	shalt  }
0x6e: {  	_ =	shalt  }
0x6f: {  	_ =	shalt  }
0x70: {  	_ =	shalt  }
0x71: {  	_ =	shalt  }
0x72: {  	_ =	shalt  }
0x73: {  	_ =	shalt  }
0x74: {  	_ =	shalt  }
0x75: {  	_ =	shalt  }
0x76: {  	_ =	shalt  }
0x77: {  	_ =	shalt  }
0x78: {  	_ =	shalt  }
0x79: {  	_ =	shalt  }
0x7a: {  	_ =	shalt  }
0x7b: {  	_ =	shalt  }
0x7c: {  	_ =	shalt  }
0x7d: {  	_ =	shalt  }
0x7e: {  	_ =	shalt  }
0x7f: {  	_ =	shalt  }
0x80: {  	_ =	shalt  }
0x81: {  	_ =	shalt  }
0x82: {  	_ =	shalt  }
0x83: {  	_ =	shalt  }
0x84: {  	_ =	shalt  }
0x85: {  	_ =	shalt  }
0x86: {  	_ =	shalt  }
0x87: {  	_ =	shalt  }
.Lfunc_end0:
.L_simem_size_0:
called_computation_lowered:
.L_overlay_start_0:
0x88: {  	s2 =	sld [smem:$0x3FD9]  }
0x89: {  	s3 =	sld [smem:$0x3FFE];
	_ =	sdelay $0x1  }
0x8a: {  	s1 =	srdreg.scid  }
0x8b: {  	s0 =	sand.u32 $0x1, s1  }
0x8c: {  	s17 =	sshll.u32 s0, $0xA;
	s2 =	sadd.s32 s3, s2  }
0x8d: {  	s2 =	sadd.s32 s2, s17  }
0x8e: {  	[smem:$0x3FC1] =	sst s2  }
0x8f: {  	_ = 	snop  }
0x90: {  	s2 =	sld [smem:$0x3FC9]  }
0x91: {  	s18 =	sld [smem:$0x3FC8]  }
0x92: {  	s4 =	sld [smem:$0x3FC7]  }
0x93: {  	s5 =	sld [smem:$0x3FC6]  }
0x94: {  	s6 =	sld [smem:$0x3FD0];
	(tm) =	ssettm $0x1  }
0x95: {  	s7 =	sld [smem:$0x3FFB];
	_ =	sdelay $0x3  }
0x96: {  	_ =	strace s7  }
0x97: {  	s7 =	sld [smem:$0x3FFC];
	_ =	sdelay $0x3  }
0x98: {  	_ =	strace s7  }
0x99: {  	s7 =	sld [smem:$0x3FFD];
	_ =	sdelay $0x3  }
0x9a: {  	_ =	strace s7  }
0x9b: {  	_ =	strace $0x8FFFFFFF  }
0x9c: {  	s19 =	sld [smem:$0x3FDB];
	_ =	sdelay $0x1  }
0x9d: {  	s8 =	simm.s32 $_scs_section_size  }
0x9e: {  	s9 =	simm.s32 $_size__tile_overlayer_lowered;
	s10 =	simm.s32 $_tile_overlayer_lowered  }
0x9f: {  	s22 =	simm.s32 $0x1BFF;
	s21 =	sshll.u32 s10, $0x1;
	s7 =	sadd.s32 s8, s19  }
0xa0: {  	s11 =	simm.s32 $0x0;
	s20 =	sshll.u32 s9, $0x1;
	s9 =	sadd.s32 s21, s7  }
0xa1: {  	[timem:s11], [sflag:s22] =	dma.local [hbm:s9], s20  }
0xa2: {  	_ =	swait.ge [sflag:s22], s20  }
0xa3: {  	s8 =	ssub.s32 $0x0, s20;
	[sflag:s22] =	ssyncset.done $0x0  }
0xa4: {  	[sflag:s22] =	ssyncadd.s32 s8;
	_ =	sdelay $0x1  }
0xa5: {  	s23 =	simm.s32 $0x1B8B  }
0xa6: {  	_ =	swait.ge [sflag:s23], $0x1  }
0xa7: {  	[sflag:s23] =	ssyncset.done $0x0  }
0xa8: {  	s25 =	simm.s32 $0x1B8E;
	s24 =	sld [smem:$0x3FFE];
	[sflag:s23] =	ssyncadd.s32 $0xFFFFFFFF  }
0xa9: {  	s26 =	simm.s32 $execute0_lowered;
	[smem:$0x3FD2] =	sst s25  }
0xaa: {  	s9 =	sshll.u32 s26, $0x1;
	_ =	strace $0x80000046;
	[dreg:$0x1] =	wrdreg $0xFFFFFFFF  }
0xab: {  	s28 =	simm.s32 $_size_execute0_lowered;
	s7 =	sadd.s32 s7, s9;
	[dreg:$0x0] =	wrdreg $0x0  }
0xac: {  	s9 =	sshll.u32 s28, $0x1;
	[dreg:$0x2] =	wrdreg s7  }
0xad: {  	[dreg:$0x3] =	wrdreg s9  }
0xae: {  	[dreg:$0x4] =	wrdreg $0xC0  }
0xaf: {  	_ =	task [dreg:s11], $0x5FFFF  }
0xb0: {  	[dreg:$0x1] =	wrdreg $0xFFFFFFFF  }
0xb1: {  	[dreg:$0x0] =	wrdreg $0x60  }
0xb2: {  	[dreg:$0x2] =	wrdreg s2  }
0xb3: {  	[dreg:$0x3] =	wrdreg s18  }
0xb4: {  	[dreg:$0x4] =	wrdreg s4  }
0xb5: {  	[dreg:$0x5] =	wrdreg s5  }
0xb6: {  	[dreg:$0x6] =	wrdreg s24  }
0xb7: {  	[dreg:$0x7] =	wrdreg s6  }
0xb8: {  	[dreg:$0x8] =	wrdreg $0x9  }
0xb9: {  	_ =	task.clear_ibuf [dreg:s11], $0x9FFFF;
	_ =	strace $0x90000046  }
0xba: {  	s29 =	simm.s32 $0x9;
	_ =	strace $0x80000048  }
0xbb: {  	_ =	swait.ge [sflag:s29], $0x1  }
0xbc: {  	[sflag:s29] =	ssyncadd.s32 $0xFFFFFFFF  }
0xbd: {  	_ =	strace $0x90000048  }
0xbe: {  	_ =	sfence  }
0xbf: {  	s30 =	sld [smem:$0x0];
	_ =	sdelay $0x2  }
0xc0: {  	s31 =	sshll.u32 s1, $0xD;
	s1 =	sshrl.u32 s1, $0x2  }
0xc1: {  	s3 =	sand.u32 $0x4000, s31;
	s1 =	sadd.s32 s1, s30  }
0xc2: {  	s0 =	sor.u32 s3, s0;
	s1 =	sshll.u32 s1, $0x11  }
0xc3: {  	s0 =	sor.u32 s1, s0  }
0xc4: {  	s0 =	sadd.s32 $0x8F2B, s0  }
0xc5: {  	[sflag:s0] =	ssyncadd.remote.s32 $0x1  }
0xc6: {  	_ =	sfence.sel $0xFFFF  }
0xc7: {  	[dreg:$0x0] =	wrdreg $0xFFFFFFFF;
	(pc) =	sbr.abs _section_cstart, $3  }
0xc8: {  	[dreg:$0x1] =	wrdreg $0xFFFFFFFF  }
0xc9: {  	_ =	task.clear_ibuf [dreg:s11], $0x2FFFF;
	_ =	strace $0x9FFFFFFF  }
0xca: {  	(tm) =	ssettm $0x7FFFFFFF  }
0xcb: {  	_ =	shalt  }
tec
execute0_lowered:
.L_overlay_start_1:
0x0: {  	(tag) =	ssettag $0x1  }
0x1: {  	s0 =	rddreg [dreg:$0x0]  }
0x2: {  	s2 =	rddreg [dreg:$0x1]  }
0x3: {  	s9 =	rddreg [dreg:$0x2]  }
0x4: {  	s10 =	rddreg [dreg:$0x3]  }
0x5: {  	s6 =	rddreg [dreg:$0x4]  }
0x6: {  	s11 =	rddreg [dreg:$0x5];
	s1 =	simm.s32 $0x0;
	s7 =	srdreg.scid  }
0x7: {  	s12 =	stileid.u32;
	s14 =	simm.s32 $0x400;
	s15 =	simm.s32 $0x600  }
0x8: {  	s16 =	simm.s32 $0x1;
	s18 =	simm.s32 $0xA00;
	s19 =	simm.s32 $0xC00  }
0x9: {  	s20 =	simm.s32 $0xE00;
	s21 =	simm.s32 $0x1000;
	s22 =	simm.s32 $0x1400  }
0xa: {  	s23 =	simm.s32 $0x1600;
	s24 =	simm.s32 $0x1800;
	s25 =	simm.s32 $0x2  }
0xb: {  	s26 =	simm.s32 $0x0;
	[smem:$0x7FF] =	sst s1;
	s3 =	sadd.s32 $0xE00, s6  }
0xc: {  	s4 =	sadd.s32 $0x1F800, s6;
	s5 =	sadd.s32 $0x3E200, s6;
	s7 =	sand.u32 $0x1, s7  }
0xd: {  	s12 =	sshll.u32 s12, $0x7;
	s8 =	ssub.s32 $0x2, s7;
	s7 =	sshll.u32 s7, $0x6  }
0xe: {  	s6 =	sadd.s32 $0x5CC00, s6;
	s13 =	sshrl.u32 s8, $0x1;
	s12 =	sor.u32 s7, s12  }
0xf: {  	_ =	strace $0x80000047;
	s13 =	ssub.s32 s8, s13;
	s7 =	sadd.s32 s0, s12  }
0x10: {  	s8 =	sadd.s32 s2, s12;
	s9 =	sadd.s32 s9, s12;
	s10 =	sadd.s32 s10, s12  }
0x11: {  	s11 =	sadd.s32 s11, s12;
	s12 =	smax.u32 s13, $0x1;
	s13 =	simm.s32 $0x200  }
.LBB2_1:
0x12: {  	[tilespmem:s1], [sflag:$0x1] =	stream.linear.gather [hbm4b:s7+s1], $0x200, $0x38;
	[tilespmem:$0x1A00] =	vst v63  }
0x13: {  	_ = 	snop  }
0x14: {  	[tilespmem:s13], [sflag:$0x1] =	stream.linear.gather [hbm4b:s8+s1], $0x200, $0x38;
	[tilespmem:$0x1A00] =	vst v63  }
0x15: {  	_ = 	snop  }
0x16: {  	[tilespmem:s14], [sflag:$0x1] =	stream.linear.gather [hbm4b:s9+s1], $0x200, $0x38;
	[tilespmem:$0x1A00] =	vst v63  }
0x17: {  	_ = 	snop  }
0x18: {  	[tilespmem:s15], [sflag:$0x1] =	stream.linear.gather [hbm4b:s10+s1], $0x200, $0x38;
	[tilespmem:$0x1A00] =	vst v63  }
0x19: {  	_ =	swait.ge [sflag:s16], $0x200  }
0x1a: {  	[sflag:s16] =	ssyncset.done $0x0  }
0x1b: {  	[sflag:s16] =	ssyncadd.s32 $0xFFFFFE00  }
0x1c: {  	_ =	swait.ge [sflag:s16], $0x200  }
0x1d: {  	[sflag:s16] =	ssyncset.done $0x0  }
0x1e: {  	[sflag:s16] =	ssyncadd.s32 $0xFFFFFE00  }
0x1f: {  	_ =	swait.ge [sflag:s16], $0x200  }
0x20: {  	[sflag:s16] =	ssyncset.done $0x0  }
0x21: {  	[sflag:s16] =	ssyncadd.s32 $0xFFFFFE00  }
0x22: {  	_ =	swait.ge [sflag:s16], $0x200  }
0x23: {  	[sflag:s16] =	ssyncset.done $0x0  }
0x24: {  	s0 =	simm.s32 $0x800;
	[sflag:s16] =	ssyncadd.s32 $0xFFFFFE00  }
0x25: {  	[tilespmem:s0], [sflag:$0x1] =	stream.indirect.gather [hbm4b:s3+s13], $0x1, s1, s13, $0xb8;
	[tilespmem:$0x1A00] =	vst v63  }
0x26: {  	_ = 	snop  }
0x27: {  	[tilespmem:s18], [sflag:$0x1] =	stream.indirect.gather [hbm4b:s4+s13], $0x1, s1, s13, $0xb8;
	[tilespmem:$0x1A00] =	vst v63  }
0x28: {  	_ = 	snop  }
0x29: {  	[tilespmem:s19], [sflag:$0x1] =	stream.indirect.gather [hbm4b:s5+s13], $0x1, s13, s13, $0xb8;
	[tilespmem:$0x1A00] =	vst v63  }
0x2a: {  	_ = 	snop  }
0x2b: {  	[tilespmem:s20], [sflag:$0x1] =	stream.indirect.gather [hbm4b:s6+s13], $0x1, s13, s13, $0xb8;
	[tilespmem:$0x1A00] =	vst v63  }
0x2c: {  	_ = 	snop  }
0x2d: {  	[tilespmem:s21], [sflag:$0x1] =	stream.indirect.gather [hbm4b:s5+s13], $0x1, s14, s13, $0xb8;
	[tilespmem:$0x1A00] =	vst v63  }
0x2e: {  	s0 =	simm.s32 $0x1200  }
0x2f: {  	[tilespmem:s0], [sflag:$0x1] =	stream.indirect.gather [hbm4b:s6+s13], $0x1, s14, s13, $0xb8;
	[tilespmem:$0x1A00] =	vst v63  }
0x30: {  	_ = 	snop  }
0x31: {  	[tilespmem:s22], [sflag:$0x1] =	stream.indirect.gather [hbm4b:s5+s13], $0x1, s15, s13, $0xb8;
	[tilespmem:$0x1A00] =	vst v63  }
0x32: {  	_ = 	snop  }
0x33: {  	[tilespmem:s23], [sflag:$0x1] =	stream.indirect.gather [hbm4b:s6+s13], $0x1, s15, s13, $0xb8;
	[tilespmem:$0x1A00] =	vst v63  }
0x34: {  	_ =	swait.ge [sflag:s16], $0x200  }
0x35: {  	[sflag:s16] =	ssyncset.done $0x0  }
0x36: {  	[sflag:s16] =	ssyncadd.s32 $0xFFFFFE00  }
0x37: {  	_ =	swait.ge [sflag:s16], $0x200  }
0x38: {  	[sflag:s16] =	ssyncset.done $0x0  }
0x39: {  	[sflag:s16] =	ssyncadd.s32 $0xFFFFFE00  }
0x3a: {  	_ =	swait.ge [sflag:s16], $0x200  }
0x3b: {  	[sflag:s16] =	ssyncset.done $0x0  }
0x3c: {  	[sflag:s16] =	ssyncadd.s32 $0xFFFFFE00  }
0x3d: {  	_ =	swait.ge [sflag:s16], $0x200  }
0x3e: {  	[sflag:s16] =	ssyncset.done $0x0  }
0x3f: {  	[sflag:s16] =	ssyncadd.s32 $0xFFFFFE00  }
0x40: {  	_ =	swait.ge [sflag:s16], $0x200  }
0x41: {  	[sflag:s16] =	ssyncset.done $0x0  }
0x42: {  	[sflag:s16] =	ssyncadd.s32 $0xFFFFFE00  }
0x43: {  	_ =	swait.ge [sflag:s16], $0x200  }
0x44: {  	[sflag:s16] =	ssyncset.done $0x0  }
0x45: {  	[sflag:s16] =	ssyncadd.s32 $0xFFFFFE00  }
0x46: {  	_ =	swait.ge [sflag:s16], $0x200  }
0x47: {  	[sflag:s16] =	ssyncset.done $0x0  }
0x48: {  	[sflag:s16] =	ssyncadd.s32 $0xFFFFFE00  }
0x49: {  	_ =	swait.ge [sflag:s16], $0x200  }
0x4a: {  	[sflag:s16] =	ssyncset.done $0x0  }
0x4b: {  	[sflag:s16] =	ssyncadd.s32 $0xFFFFFE00  }
0x4c: {  	v0 =	vld [tilespmem:s0+$0xFFFFFC30]  }
0x4d: {  	v1 =	vld [tilespmem:s0+$0x30]  }
0x4e: {  	s17 =	simm.s32 $0x820;
	v2 =	vld [tilespmem:s0+$0x230]  }
0x4f: {  	v3 =	vld [tilespmem:s17+$0x10]  }
0x50: {  	v4 =	vld [tilespmem:s0+$0xFFFFFA30]  }
0x51: {  	s2 =	simm.s32 $0xA20;
	v5 =	vld [tilespmem:s0+$0xFFFFFE30]  }
0x52: {  	v6 =	vld [tilespmem:s2+$0x10]  }
0x53: {  	v16 =	vld [tilespmem:s17+$0xFFFFFFF0]  }
0x54: {  	v18 =	vld [tilespmem:s0+$0xFFFFFC00]  }
0x55: {  	v20 =	vld [tilespmem:s0+$0x200]  }
0x56: {  	v24 =	vld [tilespmem:s0+$0x10];
	v7 =	vshll.u32 v0, $0x10  }
0x57: {  	v26 =	vld [tilespmem:s0+$0x210];
	v8 =	vshll.u32 v1, $0x10;
	v10 =	vshll.u32 v3, $0x10;
	v3 =	vand.u32 $0xFFFF0000, v3  }
0x58: {  	v28 =	vld [tilespmem:s0+$0xFFFFFC20];
	v11 =	vshll.u32 v2, $0x10;
	v12 =	vshll.u32 v4, $0x10;
	v4 =	vand.u32 $0xFFFF0000, v4  }
0x59: {  	v30 =	vld [tilespmem:s0+$0x20];
	v13 =	vshll.u32 v5, $0x10;
	v5 =	vand.u32 $0xFFFF0000, v5;
	v2 =	vand.u32 $0xFFFF0000, v2  }
0x5a: {  	v17 =	vshll.u32 v16, $0x10;
	v16 =	vand.u32 $0xFFFF0000, v16;
	v27 =	vshll.u32 v18, $0x10  }
0x5b: {  	v31 =	vshll.u32 v20, $0x10;
	v20 =	vand.u32 $0xFFFF0000, v20;
	v38 =	vshll.u32 v24, $0x10  }
0x5c: {  	v9 =	vld [tilespmem:s0+$0xFFFFFA00];
	v39 =	vshll.u32 v26, $0x10;
	v26 =	vand.u32 $0xFFFF0000, v26;
	v12 =	vmul.f32 v12, v10  }
0x5d: {  	v14 =	vld [tilespmem:s0+$0x430];
	v41 =	vshll.u32 v28, $0x10;
	v4 =	vmul.f32 v4, v3;
	v13 =	vmul.f32 v13, v10  }
0x5e: {  	v15 =	vld [tilespmem:s0+$0xFFFFFE00];
	v42 =	vshll.u32 v30, $0x10;
	v5 =	vmul.f32 v5, v3;
	v7 =	vmul.f32 v7, v6  }
0x5f: {  	v0 =	vand.u32 $0xFFFF0000, v0;
	v10 =	vmul.f32 v11, v10;
	v2 =	vmul.f32 v2, v3;
	v3 =	vld [tilespmem:s0+$0xFFFFFE10]  }
0x60: {  	v8 =	vmul.f32 v8, v6;
	v4 =	vadd.f32 v4, v12;
	v5 =	vadd.f32 v5, v13  }
0x61: {  	v1 =	vand.u32 $0xFFFF0000, v1;
	v11 =	vshll.u32 v9, $0x10;
	v13 =	vld [tilespmem:s17+$0xFFFFFFE0];
	v2 =	vadd.f32 v2, v10  }
0x62: {  	v10 =	vld [tilespmem:s0+$0xFFFFFA20];
	v4 =	vadd.f32 v7, v4;
	v7 =	vshll.u32 v14, $0x10;
	v5 =	vadd.f32 v8, v5  }
0x63: {  	v8 =	vand.u32 $0xFFFF0000, v9;
	v9 =	vshll.u32 v15, $0x10;
	v15 =	vand.u32 $0xFFFF0000, v15  }
0x64: {  	v12 =	vld [tilespmem:s0+$0xFFFFFA10];
	v14 =	vand.u32 $0xFFFF0000, v14;
	v6 =	vmul.f32 v7, v6;
	v21 =	vshll.u32 v3, $0x10  }
0x65: {  	v3 =	vand.u32 $0xFFFF0000, v3;
	v4 =	vmul.f32 $1.442695020e+00, v4;
	v5 =	vmul.f32 $1.442695020e+00, v5  }
0x66: {  	v21 =	vmul.f32 v21, v17;
	v3 =	vmul.f32 v3, v16;
	v2 =	vadd.f32 v6, v2  }
0x67: {  	v43 =	vld [tilespmem:s0+$0x400];
	v19 =	vshll.u32 v13, $0x10;
	v13 =	vand.u32 $0xFFFF0000, v13;
	v23 =	vshll.u32 v10, $0x10  }
0x68: {  	v7 =	vld [tilespmem:s17+$0x0];
	v10 =	vand.u32 $0xFFFF0000, v10;
	(erf) = vpow2.f32 v4;
	v11 =	vmul.f32 v11, v19  }
0x69: {  	v32 =	vld [tilespmem:s0+$0x220];
	v4 =	vshll.u32 v12, $0x10;
	v8 =	vmul.f32 v8, v13;
	v9 =	vmul.f32 v9, v19  }
0x6a: {  	v36 =	vld [tilespmem:s2+$0xFFFFFFE0];
	v12 =	vand.u32 $0xFFFF0000, v12;
	v15 =	vmul.f32 v15, v13;
	v19 =	vmul.f32 v31, v19  }
0x6b: {  	v44 =	vld [tilespmem:s2+$0xFFFFFFF0];
	v3 =	vadd.f32 v3, v21;
	v13 =	vmul.f32 v20, v13;
	v2 =	vmul.f32 $1.442695020e+00, v2  }
0x6c: {  	v20 =	vshll.u32 v43, $0x10;
	(erf) = vpow2.f32 v5;
	v4 =	vmul.f32 v4, v17  }
0x6d: {  	v6 =	vld [tilespmem:s0+$0xFFFFFE20];
	v12 =	vmul.f32 v12, v16;
	v17 =	vmul.f32 v39, v17;
	v22 =	vshll.u32 v7, $0x10  }
0x6e: {  	v7 =	vand.u32 $0xFFFF0000, v7;
	v8 =	vadd.f32 v8, v11;
	v11 =	vshll.u32 v32, $0x10  }
0x6f: {  	v5 =	vld [tilespmem:s0+$0x0];
	v9 =	vadd.f32 v15, v9;
	v15 =	vmul.f32 v27, v36;
	(erf) = vpow2.f32 v2  }
0x70: {  	v32 =	vand.u32 $0xFFFF0000, v32;
	v27 =	vmul.f32 v38, v44;
	v2 =	vld [tilespmem:s0+$0xFFFFFC10];
	v23 =	vmul.f32 v23, v22  }
0x71: {  	v10 =	vmul.f32 v10, v7;
	v4 =	vadd.f32 v12, v4;
	v12 =	vld [tilespmem:s2+$0x0];
	v11 =	vmul.f32 v11, v22  }
0x72: {  	v25 =	vshll.u32 v6, $0x10;
	v6 =	vand.u32 $0xFFFF0000, v6;
	v8 =	vadd.f32 v15, v8  }
0x73: {  	v3 =	vadd.f32 v27, v3;
	v25 =	vmul.f32 v25, v22;
	v6 =	vmul.f32 v6, v7  }
0x74: {  	v21 =	vld [tilespmem:s0+$0x410];
	v10 =	vadd.f32 v10, v23;
	v29 =	vshll.u32 v5, $0x10;
	v8 =	vmul.f32 $1.442695020e+00, v8  }
0x75: {  	v3 =	vmul.f32 $1.442695020e+00, v3;
	v23 =	vmul.f32 v29, v36;
	v29 =	vld [tilespmem:s0+$0x420];
	s0 =	simm.s32 $0x1240;
	v34 =	vshll.u32 v2, $0x10;
	v33 =	vpop (erf)  }
0x76: {  	v6 =	vadd.f32 v6, v25;
	v31 =	vmul.f32 v42, v12;
	v60 =	vld [tilespmem:s0+$0x210];
	v25 =	vmul.f32 v34, v44;
	v35 =	vpop (erf)  }
0x77: {  	v0 =	vmul.f32 v0, v33;
	v37 =	vadd.f32 v35, v33;
	v1 =	vmul.f32 v1, v35  }
0x78: {  	s2 =	simm.s32 $0xA60;
	v5 =	vand.u32 $0xFFFF0000, v5;
	v46 =	vld [tilespmem:s0+$0xFFFFFC20];
	v6 =	vadd.f32 v31, v6;
	v4 =	vadd.f32 v25, v4;
	v40 =	vpop (erf)  }
0x79: {  	v50 =	vld [tilespmem:s2+$0x0];
	v37 =	vadd.f32 v40, v37;
	v0 =	vadd.f32 v1, v0;
	v1 =	vmul.f32 v14, v40  }
0x7a: {  	v14 =	vmul.f32 v26, v16;
	v16 =	vshll.u32 v21, $0x10;
	v26 =	vmul.f32 v41, v12  }
0x7b: {  	v35 =	vld [tilespmem:s0+$0xFFFFFC10];
	v4 =	vmul.f32 $1.442695020e+00, v4;
	v62 =	vshll.u32 v60, $0x10;
	(erf) = vrcp.f32 v37  }
0x7c: {  	v0 =	vadd.f32 v1, v0;
	v1 =	vmul.f32 v32, v7;
	v7 =	vadd.f32 v23, v9  }
0x7d: {  	v63 =	vshll.u32 v46, $0x10;
	v15 =	vmul.f32 v16, v44;
	v44 =	vand.u32 $0xFFFF0000, v60  }
0x7e: {  	v40 =	vmul.f32 v63, v50;
	v10 =	vadd.f32 v26, v10;
	v7 =	vmul.f32 $1.442695020e+00, v7  }
0x7f: {  	v16 =	vld [tilespmem:s0+$0xFFFFFA30];
	v9 =	vmul.f32 v20, v36;
	(erf) = vpow2.f32 v8;
	v8 =	vshll.u32 v29, $0x10  }
0x80: {  	v47 =	vshll.u32 v35, $0x10;
	v10 =	vmul.f32 $1.442695020e+00, v10;
	(erf) = vpow2.f32 v7  }
0x81: {  	v7 =	vadd.f32 v13, v19;
	(erf) = vpow2.f32 v4;
	v4 =	vadd.f32 v14, v17  }
0x82: {  	v1 =	vadd.f32 v1, v11;
	v13 =	vand.u32 $0xFFFF0000, v28;
	(erf) = vpow2.f32 v3  }
0x83: {  	v19 =	vld [tilespmem:s0+$0xFFFFFE30];
	v3 =	vmul.f32 v8, v12;
	v7 =	vadd.f32 v9, v7;
	v9 =	vadd.f32 v15, v4  }
0x84: {  	v22 =	vshll.u32 v16, $0x10;
	v16 =	vand.u32 $0xFFFF0000, v16;
	v14 =	vand.u32 $0xFFFF0000, v30  }
0x85: {  	v12 =	vld [tilespmem:s0+$0x230];
	v1 =	vadd.f32 v3, v1;
	v3 =	vmul.f32 $1.442695020e+00, v7;
	v8 =	vpop (erf);
	v7 =	vmul.f32 $1.442695020e+00, v9  }
0x86: {  	v17 =	vand.u32 $0xFFFF0000, v43;
	v4 =	vmul.f32 v8, v0;
	v0 =	vmul.f32 $1.442695020e+00, v6  }
0x87: {  	(erf) = vpow2.f32 v10;
	v10 =	vand.u32 $0xFFFF0000, v24;
	v9 =	vmul.f32 $1.442695020e+00, v1  }
0x88: {  	s17 =	simm.s32 $0x860;
	v23 =	vshll.u32 v19, $0x10;
	v19 =	vand.u32 $0xFFFF0000, v19;
	(erf) = vpow2.f32 v0  }
0x89: {  	v15 =	vld [tilespmem:s17+$0x10];
	v6 =	vand.u32 $0xFFFF0000, v18;
	v1 =	vand.u32 $0xFFFF0000, v21;
	(erf) = vpow2.f32 v3;
	v3 =	vpop (erf)  }
0x8a: {  	v21 =	vshll.u32 v12, $0x10;
	(erf) = vpow2.f32 v7;
	v7 =	vpop (erf);
	v6 =	vmul.f32 v6, v3  }
0x8b: {  	v8 =	vld [tilespmem:s0+$0xFFFFFC30];
	v12 =	vand.u32 $0xFFFF0000, v12;
	(erf) = vpow2.f32 v9;
	v9 =	vpop (erf);
	v5 =	vmul.f32 v5, v7  }
0x8c: {  	v0 =	vand.u32 $0xFFFF0000, v2;
	v2 =	vand.u32 $0xFFFF0000, v29;
	v29 =	vld [tilespmem:s0+$0x0];
	v20 =	vadd.f32 v7, v3;
	v18 =	vpop (erf)  }
0x8d: {  	v11 =	vld [tilespmem:s0+$0x30];
	v0 =	vmul.f32 v0, v9;
	v7 =	vmul.f32 v10, v18;
	v3 =	vadd.f32 v5, v6  }
0x8e: {  	v25 =	vld [tilespmem:s0+$0xFFFFFA00];
	v9 =	vadd.f32 v18, v9;
	v18 =	vshll.u32 v15, $0x10;
	v15 =	vand.u32 $0xFFFF0000, v15  }
0x8f: {  	v22 =	vmul.f32 v22, v18;
	v16 =	vmul.f32 v16, v15;
	v0 =	vadd.f32 v7, v0;
	v7 =	vld [tilespmem:s2+$0x10]  }
0x90: {  	v6 =	vshll.u32 v8, $0x10;
	v19 =	vmul.f32 v19, v15;
	v12 =	vmul.f32 v12, v15;
	v15 =	vld [tilespmem:s0+$0xFFFFFA10]  }
0x91: {  	v24 =	vld [tilespmem:s0+$0x430];
	v10 =	vpop (erf);
	v55 =	vshll.u32 v29, $0x10;
	v23 =	vmul.f32 v23, v18;
	v18 =	vmul.f32 v21, v18  }
0x92: {  	v5 =	vmul.f32 v13, v10;
	v13 =	vshll.u32 v11, $0x10;
	v16 =	vadd.f32 v16, v22  }
0x93: {  	v28 =	vld [tilespmem:s17+$0xFFFFFFF0];
	v11 =	vand.u32 $0xFFFF0000, v11;
	v19 =	vadd.f32 v19, v23;
	v12 =	vadd.f32 v12, v18  }
0x94: {  	v23 =	vand.u32 $0xFFFF0000, v25;
	v27 =	vpop (erf);
	v22 =	vmul.f32 v6, v7;
	v13 =	vmul.f32 v13, v7  }
0x95: {  	v30 =	vshll.u32 v15, $0x10;
	v15 =	vand.u32 $0xFFFF0000, v15;
	v6 =	vmul.f32 v14, v27  }
0x96: {  	v26 =	vld [tilespmem:s0+$0xFFFFFE00];
	v14 =	vadd.f32 v22, v16;
	v16 =	vshll.u32 v24, $0x10;
	v13 =	vadd.f32 v13, v19  }
0x97: {  	v61 =	vld [tilespmem:s2+$0xFFFFFFF0];
	v21 =	vpop (erf);
	v24 =	vand.u32 $0xFFFF0000, v24;
	v18 =	vmul.f32 v16, v7;
	v16 =	vadd.f32 v27, v10  }
0x98: {  	v58 =	vld [tilespmem:s0+$0x10];
	v7 =	vmul.f32 v17, v21;
	v10 =	vadd.f32 v21, v20;
	v27 =	vshll.u32 v28, $0x10  }
0x99: {  	v22 =	vld [tilespmem:s0+$0xFFFFFE10];
	v28 =	vand.u32 $0xFFFF0000, v28;
	v19 =	vmul.f32 $1.442695020e+00, v14;
	v21 =	vmul.f32 $1.442695020e+00, v13  }
0x9a: {  	v5 =	vadd.f32 v6, v5;
	v20 =	vld [tilespmem:s17+$0xFFFFFFE0];
	v30 =	vmul.f32 v30, v27;
	v15 =	vmul.f32 v15, v28  }
0x9b: {  	v12 =	vadd.f32 v18, v12;
	v18 =	vshll.u32 v25, $0x10;
	v25 =	vshll.u32 v26, $0x10  }
0x9c: {  	v17 =	vld [tilespmem:s17+$0x0];
	v26 =	vand.u32 $0xFFFF0000, v26;
	v14 =	vpop (erf);
	(erf) = vpow2.f32 v19;
	v15 =	vadd.f32 v15, v30  }
0x9d: {  	v30 =	vshll.u32 v58, $0x10;
	v13 =	vadd.f32 v14, v9;
	v12 =	vmul.f32 $1.442695020e+00, v12  }
0x9e: {  	v49 =	vld [tilespmem:s0+$0x20];
	(erf) = vpow2.f32 v21;
	v51 =	vshll.u32 v22, $0x10;
	v22 =	vand.u32 $0xFFFF0000, v22  }
0x9f: {  	v30 =	vmul.f32 v30, v61;
	v1 =	vmul.f32 v1, v14;
	v31 =	vshll.u32 v20, $0x10  }
0xa0: {  	v20 =	vand.u32 $0xFFFF0000, v20;
	v32 =	vmul.f32 v51, v27;
	v22 =	vmul.f32 v22, v28  }
0xa1: {  	v19 =	vld [tilespmem:s0+$0xFFFFFE20];
	v37 =	vpop (erf);
	v33 =	vshll.u32 v17, $0x10;
	v27 =	vmul.f32 v62, v27;
	v28 =	vmul.f32 v44, v28  }
0xa2: {  	v9 =	vld [tilespmem:s0+$0xFFFFFA20];
	v17 =	vand.u32 $0xFFFF0000, v17;
	v6 =	vmul.f32 v2, v37;
	(erf) = vpow2.f32 v12  }
0xa3: {  	v21 =	vld [tilespmem:s0+$0xFFFFFC00];
	v51 =	vshll.u32 v49, $0x10;
	v18 =	vmul.f32 v18, v31;
	v23 =	vmul.f32 v23, v20  }
0xa4: {  	v2 =	vadd.f32 v7, v3;
	v25 =	vmul.f32 v25, v31;
	v26 =	vmul.f32 v26, v20  }
0xa5: {  	v12 =	vld [tilespmem:s0+$0x200];
	v22 =	vadd.f32 v22, v32;
	v27 =	vadd.f32 v28, v27;
	v28 =	vand.u32 $0xFFFF0000, v49  }
0xa6: {  	v53 =	vshll.u32 v19, $0x10;
	v19 =	vand.u32 $0xFFFF0000, v19;
	v18 =	vadd.f32 v23, v18  }
0xa7: {  	v25 =	vadd.f32 v26, v25;
	v52 =	vshll.u32 v9, $0x10;
	v9 =	vand.u32 $0xFFFF0000, v9  }
0xa8: {  	v54 =	vshll.u32 v21, $0x10;
	v36 =	vmul.f32 v53, v33;
	v19 =	vmul.f32 v19, v17;
	v57 =	vpop (erf)  }
0xa9: {  	v23 =	vld [tilespmem:s0+$0x220];
	v22 =	vadd.f32 v30, v22;
	v21 =	vand.u32 $0xFFFF0000, v21;
	v34 =	vmul.f32 v52, v33;
	v59 =	vpop (erf)  }
0xaa: {  	v26 =	vld [tilespmem:s2+$0xFFFFFFE0];
	v9 =	vmul.f32 v9, v17;
	v56 =	vshll.u32 v12, $0x10;
	v45 =	vadd.f32 v59, v57  }
0xab: {  	v19 =	vadd.f32 v19, v36;
	v36 =	vmul.f32 v51, v50;
	v51 =	vadd.f32 v6, v5;
	v48 =	vpop (erf)  }
0xac: {  	v12 =	vand.u32 $0xFFFF0000, v12;
	v34 =	vadd.f32 v9, v34;
	v45 =	vadd.f32 v48, v45  }
0xad: {  	v31 =	vmul.f32 v56, v31;
	v20 =	vmul.f32 v12, v20;
	v12 =	vand.u32 $0xFFFF0000, v8  }
0xae: {  	v12 =	vmul.f32 v12, v57;
	v53 =	vshll.u32 v23, $0x10;
	(erf) = vrcp.f32 v45  }
0xaf: {  	v9 =	vld [tilespmem:s0+$0x400];
	v38 =	vmul.f32 v54, v26;
	v23 =	vand.u32 $0xFFFF0000, v23;
	v39 =	vmul.f32 v55, v26  }
0xb0: {  	v8 =	vld [tilespmem:s0+$0x410];
	v54 =	vmul.f32 v47, v61;
	v19 =	vadd.f32 v36, v19;
	v52 =	vmul.f32 v11, v59  }
0xb1: {  	v11 =	vld [tilespmem:s0+$0x420];
	v33 =	vmul.f32 v53, v33;
	v20 =	vadd.f32 v20, v31;
	v18 =	vadd.f32 v38, v18  }
0xb2: {  	v17 =	vmul.f32 v23, v17;
	v25 =	vadd.f32 v39, v25;
	v15 =	vadd.f32 v54, v15  }
0xb3: {  	v19 =	vmul.f32 $1.442695020e+00, v19;
	v12 =	vadd.f32 v52, v12;
	v24 =	vmul.f32 v24, v48  }
0xb4: {  	v17 =	vadd.f32 v17, v33;
	v55 =	vshll.u32 v9, $0x10;
	v18 =	vmul.f32 $1.442695020e+00, v18  }
0xb5: {  	v56 =	vshll.u32 v8, $0x10;
	v25 =	vmul.f32 $1.442695020e+00, v25;
	v15 =	vmul.f32 $1.442695020e+00, v15  }
0xb6: {  	v12 =	vadd.f32 v24, v12;
	v30 =	vmul.f32 v56, v61;
	v23 =	vshll.u32 v11, $0x10  }
0xb7: {  	v9 =	vand.u32 $0xFFFF0000, v9;
	(erf) = vpow2.f32 v18;
	v23 =	vmul.f32 v23, v50;
	v24 =	vpop (erf)  }
0xb8: {  	s17 =	simm.s32 $0x1280;
	v8 =	vand.u32 $0xFFFF0000, v8;
	v12 =	vmul.f32 v24, v12;
	v24 =	vmul.f32 v55, v26  }
0xb9: {  	v14 =	vld [tilespmem:s17+$0xFFFFFE30];
	(erf) = vpow2.f32 v25;
	v17 =	vadd.f32 v23, v17;
	v26 =	vadd.f32 v40, v34  }
0xba: {  	(erf) = vpow2.f32 v15;
	v15 =	vld [tilespmem:s17+$0xFFFFFC30];
	v18 =	vadd.f32 v24, v20;
	v20 =	vmul.f32 $1.442695020e+00, v22  }
0xbb: {  	v25 =	vand.u32 $0xFFFF0000, v35;
	v17 =	vmul.f32 $1.442695020e+00, v17;
	v55 =	vld [tilespmem:s17+$0x200];
	v22 =	vmul.f32 $1.442695020e+00, v26  }
0xbc: {  	v24 =	vadd.f32 v30, v27;
	v26 =	vand.u32 $0xFFFF0000, v58;
	v58 =	vld [tilespmem:s17+$0xFFFFFE20];
	(erf) = vpow2.f32 v20  }
0xbd: {  	s28 =	simm.s32 $0x8A0;
	v50 =	vadd.f32 v1, v0;
	v18 =	vmul.f32 $1.442695020e+00, v18;
	(erf) = vpow2.f32 v22;
	v22 =	vld [tilespmem:s17+$0x230]  }
0xbe: {  	v23 =	vadd.f32 v37, v16;
	v20 =	vmul.f32 $1.442695020e+00, v24;
	(erf) = vpow2.f32 v19;
	v19 =	vld [tilespmem:s28+$0x10]  }
0xbf: {  	v27 =	vand.u32 $0xFFFF0000, v46;
	v30 =	vshll.u32 v14, $0x10;
	(erf) = vpow2.f32 v18;
	v18 =	vld [tilespmem:s17+$0xFFFFFA30]  }
0xc0: {  	s29 =	simm.s32 $0xAA0;
	v14 =	vand.u32 $0xFFFF0000, v14;
	v24 =	vand.u32 $0xFFFF0000, v29;
	(erf) = vpow2.f32 v20  }
0xc1: {  	v7 =	vld [tilespmem:s29+$0x10];
	v45 =	vand.u32 $0xFFFF0000, v55;
	v52 =	vshll.u32 v58, $0x10;
	(erf) = vpow2.f32 v17;
	v17 =	vpop (erf)  }
0xc2: {  	v16 =	vld [tilespmem:s17+$0x30];
	v33 =	vand.u32 $0xFFFF0000, v58;
	(erf) = vrcp.f32 v10;
	v3 =	vmul.f32 v21, v17  }
0xc3: {  	v10 =	vshll.u32 v15, $0x10;
	v21 =	vshll.u32 v22, $0x10;
	(erf) = vrcp.f32 v13  }
0xc4: {  	v20 =	vshll.u32 v19, $0x10;
	v19 =	vand.u32 $0xFFFF0000, v19;
	v29 =	vshll.u32 v18, $0x10  }
0xc5: {  	v31 =	vld [tilespmem:s17+$0x430];
	v18 =	vand.u32 $0xFFFF0000, v18;
	v30 =	vmul.f32 v30, v20;
	v14 =	vmul.f32 v14, v19  }
0xc6: {  	v22 =	vand.u32 $0xFFFF0000, v22;
	v29 =	vmul.f32 v29, v20;
	v18 =	vmul.f32 v18, v19  }
0xc7: {  	v13 =	vshll.u32 v16, $0x10;
	v10 =	vmul.f32 v10, v7;
	v19 =	vmul.f32 v22, v19;
	v22 =	vld [tilespmem:s17+$0xFFFFFA00]  }
0xc8: {  	v13 =	vmul.f32 v13, v7;
	v14 =	vadd.f32 v14, v30;
	v18 =	vadd.f32 v18, v29  }
0xc9: {  	v15 =	vand.u32 $0xFFFF0000, v15;
	v16 =	vand.u32 $0xFFFF0000, v16;
	v20 =	vmul.f32 v21, v20  }
0xca: {  	v30 =	vld [tilespmem:s28+$0xFFFFFFF0];
	v13 =	vadd.f32 v13, v14;
	v29 =	vpop (erf);
	v10 =	vadd.f32 v10, v18;
	v18 =	vshll.u32 v31, $0x10  }
0xcb: {  	v14 =	vadd.f32 v19, v20;
	v31 =	vand.u32 $0xFFFF0000, v31;
	v21 =	vmul.f32 v24, v29  }
0xcc: {  	v7 =	vmul.f32 v18, v7;
	v13 =	vmul.f32 $1.442695020e+00, v13;
	v57 =	vshll.u32 v22, $0x10  }
0xcd: {  	v24 =	vld [tilespmem:s17+$0xFFFFFE00];
	v59 =	vand.u32 $0xFFFF0000, v22;
	v10 =	vmul.f32 $1.442695020e+00, v10;
	v18 =	vpop (erf);
	(erf) = vrcp.f32 v23  }
0xce: {  	v7 =	vadd.f32 v7, v14;
	v14 =	vadd.f32 v29, v17;
	v29 =	vld [tilespmem:s28+$0xFFFFFFE0];
	v19 =	vmul.f32 v25, v18;
	v20 =	vpop (erf)  }
0xcf: {  	v36 =	vshll.u32 v30, $0x10;
	v25 =	vld [tilespmem:s17+$0xFFFFFA10];
	(erf) = vpow2.f32 v10;
	v5 =	vmul.f32 v26, v20  }
0xd0: {  	v30 =	vand.u32 $0xFFFF0000, v30;
	v6 =	vpop (erf);
	v7 =	vmul.f32 $1.442695020e+00, v7;
	(erf) = vpow2.f32 v13  }
0xd1: {  	v22 =	vld [tilespmem:s17+$0xFFFFFC00];
	v13 =	vadd.f32 v21, v3;
	v10 =	vadd.f32 v20, v18;
	v18 =	vmul.f32 v27, v6  }
0xd2: {  	v17 =	vpop (erf);
	v60 =	vshll.u32 v24, $0x10;
	v24 =	vand.u32 $0xFFFF0000, v24;
	v3 =	vadd.f32 v5, v19  }
0xd3: {  	v26 =	vld [tilespmem:s17+$0xFFFFFE10];
	v21 =	vmul.f32 v28, v17;
	v23 =	vpop (erf);
	(erf) = vpow2.f32 v7;
	v17 =	vadd.f32 v17, v6  }
0xd4: {  	v27 =	vld [tilespmem:s28+$0x0];
	v38 =	vshll.u32 v29, $0x10;
	v29 =	vand.u32 $0xFFFF0000, v29;
	v61 =	vshll.u32 v25, $0x10  }
0xd5: {  	v25 =	vand.u32 $0xFFFF0000, v25;
	v32 =	vmul.f32 v57, v38;
	v34 =	vmul.f32 v59, v29  }
0xd6: {  	v28 =	vld [tilespmem:s17+$0xFFFFFA20];
	v19 =	vpop (erf);
	v35 =	vmul.f32 v60, v38;
	v24 =	vmul.f32 v24, v29;
	v57 =	vshll.u32 v22, $0x10  }
0xd7: {  	v60 =	vshll.u32 v55, $0x10;
	v29 =	vmul.f32 v45, v29;
	v10 =	vadd.f32 v19, v10  }
0xd8: {  	v43 =	vld [tilespmem:s17+$0xFFFFFC20];
	v62 =	vshll.u32 v26, $0x10;
	v26 =	vand.u32 $0xFFFF0000, v26;
	v37 =	vmul.f32 v61, v36  }
0xd9: {  	v49 =	vld [tilespmem:s17+$0x0];
	v25 =	vmul.f32 v25, v30;
	v38 =	vmul.f32 v60, v38;
	v40 =	vshll.u32 v27, $0x10  }
0xda: {  	v20 =	vpop (erf);
	v59 =	vld [tilespmem:s17+$0x210];
	v27 =	vand.u32 $0xFFFF0000, v27;
	v39 =	vmul.f32 v62, v36;
	v32 =	vadd.f32 v34, v32  }
0xdb: {  	v44 =	vld [tilespmem:s29+$0xFFFFFFF0];
	v7 =	vpop (erf);
	v26 =	vmul.f32 v26, v30;
	v24 =	vadd.f32 v24, v35;
	v63 =	vshll.u32 v28, $0x10  }
0xdc: {  	v61 =	vld [tilespmem:s17+$0x220];
	v6 =	vpop (erf);
	v28 =	vand.u32 $0xFFFF0000, v28;
	v25 =	vadd.f32 v25, v37;
	v42 =	vmul.f32 v52, v40  }
0xdd: {  	v34 =	vld [tilespmem:s17+$0xFFFFFC10];
	v5 =	vpop (erf);
	v33 =	vmul.f32 v33, v27;
	v29 =	vadd.f32 v29, v38;
	v41 =	vmul.f32 v63, v40  }
0xde: {  	v62 =	vld [tilespmem:s29+$0xFFFFFFE0];
	v53 =	vpop (erf);
	v28 =	vmul.f32 v28, v27;
	v26 =	vadd.f32 v26, v39;
	v63 =	vshll.u32 v49, $0x10  }
0xdf: {  	v55 =	vld [tilespmem:s17+$0x20];
	v54 =	vpop (erf);
	v15 =	vmul.f32 v15, v53;
	v33 =	vadd.f32 v33, v42;
	v52 =	vshll.u32 v59, $0x10  }
0xe0: {  	v37 =	vld [tilespmem:s17+$0x10];
	v35 =	vand.u32 $0xFFFF0000, v59;
	v59 =	vshll.u32 v43, $0x10;
	v56 =	vadd.f32 v54, v53  }
0xe1: {  	v28 =	vadd.f32 v28, v41;
	v16 =	vmul.f32 v16, v54;
	v36 =	vmul.f32 v52, v36  }
0xe2: {  	v30 =	vmul.f32 v35, v30;
	v39 =	vand.u32 $0xFFFF0000, v61;
	v58 =	vpop (erf);
	v54 =	vshll.u32 v34, $0x10  }
0xe3: {  	v53 =	vld [tilespmem:s29+$0x0];
	v47 =	vmul.f32 v57, v62;
	v27 =	vmul.f32 v39, v27;
	v46 =	vadd.f32 v58, v56  }
0xe4: {  	v15 =	vadd.f32 v16, v15;
	v31 =	vmul.f32 v31, v58;
	v56 =	vshll.u32 v61, $0x10  }
0xe5: {  	v16 =	vld [tilespmem:s17+$0x400];
	v58 =	vshll.u32 v37, $0x10;
	v42 =	vmul.f32 v54, v44;
	v61 =	vshll.u32 v55, $0x10  }
0xe6: {  	v57 =	vld [tilespmem:s17+$0x410];
	v35 =	vmul.f32 v56, v40;
	v32 =	vadd.f32 v47, v32;
	v47 =	vmul.f32 v58, v44  }
0xe7: {  	v30 =	vadd.f32 v30, v36;
	(erf) = vrcp.f32 v46;
	v46 =	vmul.f32 v63, v62  }
0xe8: {  	v25 =	vadd.f32 v42, v25;
	v15 =	vadd.f32 v31, v15;
	v39 =	vmul.f32 v59, v53  }
0xe9: {  	v26 =	vadd.f32 v47, v26;
	v42 =	vmul.f32 v61, v53;
	v24 =	vadd.f32 v46, v24  }
0xea: {  	v32 =	vmul.f32 $1.442695020e+00, v32;
	v25 =	vmul.f32 $1.442695020e+00, v25;
	v60 =	vshll.u32 v16, $0x10  }
0xeb: {  	v63 =	vshll.u32 v57, $0x10;
	v41 =	vmul.f32 v60, v62;
	v62 =	vld [tilespmem:s17+$0x420];
	v24 =	vmul.f32 $1.442695020e+00, v24  }
0xec: {  	v28 =	vadd.f32 v39, v28;
	v38 =	vmul.f32 v63, v44;
	(erf) = vpow2.f32 v32  }
0xed: {  	v27 =	vadd.f32 v27, v35;
	(erf) = vpow2.f32 v24;
	v24 =	vmul.f32 $1.442695020e+00, v26  }
0xee: {  	v33 =	vadd.f32 v42, v33;
	(erf) = vpow2.f32 v25;
	v25 =	vmul.f32 $1.442695020e+00, v28  }
0xef: {  	v26 =	vadd.f32 v41, v29;
	v29 =	vadd.f32 v38, v30;
	(erf) = vpow2.f32 v24  }
0xf0: {  	v28 =	vmul.f32 $1.442695020e+00, v33;
	v24 =	vshll.u32 v62, $0x10;
	(erf) = vpow2.f32 v25  }
0xf1: {  	s0 =	simm.s32 $0x1820;
	v25 =	vmul.f32 $1.442695020e+00, v26;
	v26 =	vmul.f32 v9, v23;
	v9 =	vadd.f32 v23, v14  }
0xf2: {  	[tilespmem:s0+$0x10] =	vst v4;
	v23 =	vpop (erf);
	v4 =	vand.u32 $0xFFFF0000, v62;
	v24 =	vmul.f32 v24, v53;
	(erf) = vpow2.f32 v28  }
0xf3: {  	v28 =	vmul.f32 $1.442695020e+00, v29;
	v15 =	vmul.f32 v23, v15;
	v29 =	vand.u32 $0xFFFF0000, v22  }
0xf4: {  	v23 =	vand.u32 $0xFFFF0000, v37;
	(erf) = vpow2.f32 v25;
	v25 =	vadd.f32 v21, v18  }
0xf5: {  	v22 =	vand.u32 $0xFFFF0000, v43;
	v21 =	vadd.f32 v26, v13;
	v14 =	vadd.f32 v24, v27  }
0xf6: {  	v13 =	vmul.f32 v8, v19;
	v8 =	vand.u32 $0xFFFF0000, v11;
	(erf) = vpow2.f32 v28  }
0xf7: {  	s31 =	simm.s32 $0x1860;
	v24 =	vadd.f32 v20, v17;
	v11 =	vmul.f32 v8, v20;
	v14 =	vmul.f32 $1.442695020e+00, v14  }
0xf8: {  	s30 =	simm.s32 $0x18A0;
	[tilespmem:s31+$0x10] =	vst v12;
	v28 =	vand.u32 $0xFFFF0000, v49;
	v27 =	vand.u32 $0xFFFF0000, v34;
	v17 =	vand.u32 $0xFFFF0000, v55  }
0xf9: {  	s2 =	simm.s32 $0x80;
	s17 =	simm.s32 $0x12C0;
	[tilespmem:s30+$0x10] =	vst v15;
	v20 =	vand.u32 $0xFFFF0000, v16;
	v8 =	vand.u32 $0xFFFF0000, v57;
	(erf) = vpow2.f32 v14  }
.LBB2_2:
0xfa: {  	v18 =	vld [tilespmem:s17+$0xFFFFFC30]  }
0xfb: {  	v12 =	vpop (erf);
	v3 =	vadd.f32 v13, v3;
	(erf) = vrcp.f32 v9;
	v2 =	vmul.f32 v7, v2;
	v19 =	vld [tilespmem:s17+$0x30]  }
0xfc: {  	v6 =	vmul.f32 v6, v50;
	v26 =	vld [tilespmem:s17+$0xFFFFFA30];
	v7 =	vmul.f32 v29, v12;
	v9 =	vpop (erf);
	v13 =	vadd.f32 v11, v25  }
0xfd: {  	s28 =	sadd.s32 $0x40, s28;
	(erf) = vrcp.f32 v10;
	v25 =	vld [tilespmem:s17+$0x230];
	v1 =	vmul.f32 v28, v9;
	v9 =	vadd.f32 v9, v12;
	v12 =	vpop (erf)  }
0xfe: {  	v5 =	vmul.f32 v5, v51;
	(erf) = vrcp.f32 v24;
	v24 =	vld [tilespmem:s28+$0x10];
	v11 =	vmov v3;
	[tilespmem:s0+$0xFFFFFFF0] =	vst v6;
	v14 =	vpop (erf)  }
0xff: {  	[tilespmem:$0x1FFF0] =	vst v4;
	v15 =	vmul.f32 v27, v12;
	v29 =	vld [tilespmem:s28+$0xFFFFFFF0];
	v0 =	vadd.f32 v1, v7;
	v3 =	vmul.f32 v23, v14;
	v10 =	vpop (erf)  }
0x100: {  	[tilespmem:s0+$0xFFFFFFE0] =	vst v2;
	v34 =	vld [tilespmem:s17+$0xFFFFFA10];
	v7 =	vadd.f32 v14, v12;
	v12 =	vmul.f32 v22, v10;
	v14 =	vpop (erf);
	v28 =	vshll.u32 v19, $0x10  }
0x101: {  	[tilespmem:s0+$0x0] =	vst v5;
	v4 =	vmovc v13;
	v36 =	vld [tilespmem:s17+$0xFFFFFE10];
	v19 =	vand.u32 $0xFFFF0000, v19;
	v3 =	vadd.f32 v3, v15;
	v13 =	vmul.f32 v17, v14  }
0x102: {  	v37 =	vld [tilespmem:s28+$0x0];
	[tilespmem:$0x1FFE0] =	vst v0;
	v17 =	vadd.f32 v14, v10;
	v2 =	vpop (erf);
	v32 =	vshll.u32 v25, $0x10;
	v0 =	vshll.u32 v26, $0x10  }
0x103: {  	v58 =	vld [tilespmem:s28+$0xFFFFFFE0];
	v26 =	vand.u32 $0xFFFF0000, v26;
	v25 =	vand.u32 $0xFFFF0000, v25;
	v14 =	vmul.f32 v20, v2  }
0x104: {  	v56 =	vld [tilespmem:s17+$0xFFFFFA20];
	v9 =	vadd.f32 v2, v9;
	v2 =	vmovc v21;
	v21 =	vshll.u32 v18, $0x10;
	v30 =	vshll.u32 v24, $0x10  }
0x105: {  	v23 =	vld [tilespmem:s17+$0xFFFFFE30];
	v15 =	vpop (erf);
	v31 =	vand.u32 $0xFFFF0000, v24;
	v18 =	vand.u32 $0xFFFF0000, v18;
	v35 =	vmul.f32 v0, v30  }
0x106: {  	s29 =	sadd.s32 $0x40, s29;
	v57 =	vld [tilespmem:s17+$0xFFFFFE20];
	v10 =	vadd.f32 v15, v7;
	v26 =	vmul.f32 v26, v31;
	v25 =	vmul.f32 v25, v31  }
0x107: {  	v20 =	vld [tilespmem:s29+$0x10];
	v39 =	vshll.u32 v29, $0x10;
	v29 =	vand.u32 $0xFFFF0000, v29;
	v40 =	vshll.u32 v34, $0x10  }
0x108: {  	v41 =	vshll.u32 v58, $0x10;
	v34 =	vand.u32 $0xFFFF0000, v34;
	v42 =	vshll.u32 v36, $0x10  }
0x109: {  	v24 =	vld [tilespmem:s17+$0x430];
	v36 =	vand.u32 $0xFFFF0000, v36;
	v44 =	vshll.u32 v37, $0x10;
	v37 =	vand.u32 $0xFFFF0000, v37  }
0x10a: {  	v45 =	vshll.u32 v56, $0x10;
	v33 =	vshll.u32 v23, $0x10;
	v23 =	vand.u32 $0xFFFF0000, v23  }
0x10b: {  	v22 =	vld [tilespmem:s17+$0xFFFFFA00];
	v46 =	vshll.u32 v57, $0x10;
	v33 =	vmul.f32 v33, v30;
	v23 =	vmul.f32 v23, v31  }
0x10c: {  	v40 =	vmul.f32 v40, v39;
	v26 =	vadd.f32 v26, v35;
	v21 =	vmul.f32 v21, v20  }
0x10d: {  	v38 =	vld [tilespmem:s17+$0x200];
	v30 =	vmul.f32 v32, v30;
	v28 =	vmul.f32 v28, v20;
	v23 =	vadd.f32 v23, v33  }
0x10e: {  	v34 =	vmul.f32 v34, v29;
	v21 =	vadd.f32 v21, v26;
	v26 =	vshll.u32 v24, $0x10  }
0x10f: {  	v43 =	vld [tilespmem:s17+$0x210];
	v16 =	vpop (erf);
	v25 =	vadd.f32 v25, v30;
	v23 =	vadd.f32 v28, v23;
	v26 =	vmul.f32 v26, v20  }
0x110: {  	v7 =	vpop (erf);
	v31 =	vshll.u32 v22, $0x10;
	v28 =	vand.u32 $0xFFFF0000, v22;
	v22 =	vmul.f32 $1.442695020e+00, v21  }
0x111: {  	v42 =	vmul.f32 v42, v39;
	v6 =	vpop (erf);
	v23 =	vmul.f32 $1.442695020e+00, v23;
	v25 =	vadd.f32 v26, v25  }
0x112: {  	v51 =	vshll.u32 v38, $0x10;
	v36 =	vmul.f32 v36, v29;
	v5 =	vpop (erf);
	(erf) = vpow2.f32 v22  }
0x113: {  	v27 =	vld [tilespmem:s17+$0xFFFFFE00];
	v38 =	vand.u32 $0xFFFF0000, v38;
	v25 =	vmul.f32 $1.442695020e+00, v25;
	(erf) = vpow2.f32 v23  }
0x114: {  	v61 =	vshll.u32 v43, $0x10;
	v45 =	vmul.f32 v45, v44;
	v46 =	vmul.f32 v46, v44  }
0x115: {  	v48 =	vld [tilespmem:s17+$0x220];
	v43 =	vand.u32 $0xFFFF0000, v43;
	v39 =	vmul.f32 v61, v39;
	(erf) = vpow2.f32 v25  }
0x116: {  	v35 =	vand.u32 $0xFFFF0000, v56;
	v32 =	vand.u32 $0xFFFF0000, v57;
	v31 =	vmul.f32 v31, v41;
	v21 =	vld [tilespmem:s17+$0x0]  }
0x117: {  	v49 =	vld [tilespmem:s29+$0xFFFFFFE0];
	v35 =	vmul.f32 v35, v37;
	v32 =	vmul.f32 v32, v37;
	v36 =	vadd.f32 v36, v42  }
0x118: {  	v30 =	vshll.u32 v27, $0x10;
	v27 =	vand.u32 $0xFFFF0000, v27;
	v33 =	vand.u32 $0xFFFF0000, v58;
	v26 =	vld [tilespmem:s17+$0x20]  }
0x119: {  	v53 =	vld [tilespmem:s29+$0x0];
	v30 =	vmul.f32 v30, v41;
	v27 =	vmul.f32 v27, v33;
	v35 =	vadd.f32 v35, v45  }
0x11a: {  	v55 =	vld [tilespmem:s17+$0x400];
	v41 =	vmul.f32 v51, v41;
	v32 =	vadd.f32 v32, v46;
	v24 =	vand.u32 $0xFFFF0000, v24  }
0x11b: {  	v28 =	vmul.f32 v28, v33;
	v27 =	vadd.f32 v27, v30;
	v25 =	vld [tilespmem:s17+$0xFFFFFC20];
	v50 =	vshll.u32 v21, $0x10;
	v54 =	vpop (erf)  }
0x11c: {  	v52 =	vld [tilespmem:s29+$0xFFFFFFF0];
	v30 =	vadd.f32 v34, v40;
	v33 =	vmul.f32 v38, v33;
	v40 =	vmul.f32 v50, v49;
	v57 =	vpop (erf)  }
0x11d: {  	v28 =	vadd.f32 v28, v31;
	v22 =	vld [tilespmem:s17+$0xFFFFFC10];
	v1 =	vshll.u32 v26, $0x10;
	v59 =	vadd.f32 v57, v54  }
0x11e: {  	v31 =	vshll.u32 v48, $0x10;
	v23 =	vld [tilespmem:s17+$0x10];
	v1 =	vmul.f32 v1, v53;
	v27 =	vadd.f32 v40, v27;
	v63 =	vpop (erf)  }
0x11f: {  	v20 =	vld [tilespmem:s17+$0xFFFFFC00];
	v38 =	vshll.u32 v55, $0x10;
	v31 =	vmul.f32 v31, v44;
	v59 =	vadd.f32 v63, v59  }
0x120: {  	v1 =	vadd.f32 v1, v32;
	v0 =	vshll.u32 v25, $0x10;
	v27 =	vmul.f32 $1.442695020e+00, v27  }
0x121: {  	v48 =	vand.u32 $0xFFFF0000, v48;
	v0 =	vmul.f32 v0, v53;
	(erf) = vrcp.f32 v59  }
0x122: {  	v58 =	vld [tilespmem:s17+$0x410];
	v56 =	vshll.u32 v22, $0x10;
	v1 =	vmul.f32 $1.442695020e+00, v1;
	v18 =	vmul.f32 v18, v54  }
0x123: {  	v60 =	vshll.u32 v23, $0x10;
	v19 =	vmul.f32 v19, v57;
	v54 =	vmul.f32 v56, v52  }
0x124: {  	v47 =	vshll.u32 v20, $0x10;
	v56 =	vmul.f32 v60, v52;
	v60 =	vmul.f32 v38, v49  }
0x125: {  	v18 =	vadd.f32 v19, v18;
	v19 =	vmul.f32 v24, v63;
	v59 =	vmul.f32 v47, v49  }
0x126: {  	v62 =	vld [tilespmem:s17+$0x420];
	v0 =	vadd.f32 v0, v35;
	v24 =	vmul.f32 v43, v29;
	v30 =	vadd.f32 v54, v30  }
0x127: {  	v29 =	vshll.u32 v58, $0x10;
	v18 =	vadd.f32 v19, v18;
	v19 =	vadd.f32 v59, v28  }
0x128: {  	v36 =	vadd.f32 v56, v36;
	v0 =	vmul.f32 $1.442695020e+00, v0;
	v29 =	vmul.f32 v29, v52  }
0x129: {  	v33 =	vadd.f32 v33, v41;
	v30 =	vmul.f32 $1.442695020e+00, v30;
	v19 =	vmul.f32 $1.442695020e+00, v19  }
0x12a: {  	v23 =	vand.u32 $0xFFFF0000, v23;
	v61 =	vmul.f32 $1.442695020e+00, v36;
	v28 =	vmul.f32 v48, v37;
	v59 =	vpop (erf)  }
0x12b: {  	v57 =	vshll.u32 v62, $0x10;
	(erf) = vpow2.f32 v19;
	v18 =	vmul.f32 v59, v18  }
0x12c: {  	s0 =	smov.u32 s31;
	s31 =	smov.u32 s30;
	s30 =	sadd.s32 $0x40, s30;
	(erf) = vpow2.f32 v27;
	v27 =	vand.u32 $0xFFFF0000, v22;
	v22 =	vand.u32 $0xFFFF0000, v25  }
0x12d: {  	v25 =	vadd.f32 v13, v12;
	(erf) = vpow2.f32 v30;
	[tilespmem:s30+$0x10] =	vst v18;
	v18 =	vadd.f32 v24, v39  }
0x12e: {  	v24 =	vadd.f32 v28, v31;
	v28 =	vmul.f32 v57, v53;
	(erf) = vpow2.f32 v61  }
0x12f: {  	s2 =	sadd.s32 $0x40, s2;
	v51 =	vmovc v4;
	v4 =	vld [tilespmem:$0x1FFE0];
	v31 =	vadd.f32 v60, v33;
	(erf) = vpow2.f32 v0;
	v0 =	vand.u32 $0xFFFF0000, v58  }
0x130: {  	p0 =	slt.u32 s2, $0x1C0;
	v13 =	vmul.f32 v8, v15;
	v18 =	vadd.f32 v29, v18;
	v63 =	vadd.f32 v28, v24;
	v8 =	vmovc v0;
	v0 =	vld [tilespmem:$0x1FFF0]  }
.Ltmp0:
0x131: {  	v31 =	vmul.f32 $1.442695020e+00, v31;
	v24 =	vadd.f32 v16, v17;
	v29 =	vand.u32 $0xFFFF0000, v20;
	(pc) =	sbr.rel @p0 .LBB2_2-.Ltmp0, $4  }
0x132: {  	v28 =	vand.u32 $0xFFFF0000, v21;
	(erf) = vpow2.f32 v1;
	v18 =	vmul.f32 $1.442695020e+00, v18  }
0x133: {  	v17 =	vand.u32 $0xFFFF0000, v26;
	v19 =	vmul.f32 $1.442695020e+00, v63;
	(erf) = vpow2.f32 v31  }
0x134: {  	v20 =	vand.u32 $0xFFFF0000, v55;
	v1 =	vand.u32 $0xFFFF0000, v62;
	(erf) = vpow2.f32 v18  }
0x135: {  	s17 =	sadd.s32 $0x40, s17;
	v50 =	vmovc v11;
	v21 =	vadd.f32 v14, v4;
	v4 =	vmovc v1;
	(erf) = vpow2.f32 v19;
	v11 =	vmul.f32 v0, v16  }
0x136: {  	v0 =	vpop (erf)  }
0x137: {  	v1 =	vpop (erf)  }
0x138: {  	v12 =	vpop (erf)  }
0x139: {  	v14 =	vpop (erf)  }
0x13a: {  	v15 =	vpop (erf)  }
0x13b: {  	v16 =	vadd.f32 v1, v0;
	v18 =	vpop (erf)  }
0x13c: {  	v45 =	vadd.f32 v14, v12;
	(erf) = vrcp.f32 v9;
	v19 =	vpop (erf)  }
0x13d: {  	(erf) = vrcp.f32 v10;
	v46 =	vadd.f32 v18, v15;
	v16 =	vadd.f32 v19, v16;
	v26 =	vpop (erf)  }
0x13e: {  	(erf) = vrcp.f32 v24;
	v9 =	vadd.f32 v26, v45;
	v47 =	vpop (erf)  }
0x13f: {  	v2 =	vmul.f32 v7, v2;
	(erf) = vrcp.f32 v16;
	v10 =	vadd.f32 v47, v46  }
0x140: {  	v6 =	vmul.f32 v6, v50;
	(erf) = vrcp.f32 v9  }
0x141: {  	v54 =	vmul.f32 v5, v51;
	(erf) = vrcp.f32 v10  }
0x142: {  	v0 =	vmul.f32 v29, v0;
	v1 =	vmul.f32 v28, v1  }
0x143: {  	v3 =	vadd.f32 v13, v3;
	v48 =	vmul.f32 v27, v12;
	v50 =	vmul.f32 v23, v14  }
0x144: {  	v49 =	vadd.f32 v11, v25;
	v52 =	vmul.f32 v22, v15;
	v53 =	vmul.f32 v17, v18  }
0x145: {  	[tilespmem:s0+$0xFFFFFFE0] =	vst v2;
	v0 =	vadd.f32 v1, v0;
	v55 =	vadd.f32 v50, v48;
	v56 =	vmul.f32 v20, v19;
	v57 =	vpop (erf)  }
0x146: {  	[tilespmem:s0+$0xFFFFFFF0] =	vst v6;
	v1 =	vadd.f32 v53, v52;
	v8 =	vmul.f32 v8, v26;
	v58 =	vpop (erf);
	v10 =	vmul.f32 v57, v21  }
0x147: {  	[tilespmem:s0+$0x0] =	vst v54;
	v0 =	vadd.f32 v56, v0;
	v4 =	vmul.f32 v4, v47;
	v59 =	vpop (erf);
	v3 =	vmul.f32 v58, v3  }
0x148: {  	v5 =	vadd.f32 v8, v55;
	[tilespmem:s31+$0xFFFFFFE0] =	vst v10;
	v2 =	vmul.f32 v59, v49;
	v60 =	vpop (erf)  }
0x149: {  	v1 =	vadd.f32 v4, v1;
	[tilespmem:s31+$0xFFFFFFF0] =	vst v3;
	v61 =	vpop (erf);
	v0 =	vmul.f32 v60, v0  }
0x14a: {  	[tilespmem:s31+$0x0] =	vst v2;
	v62 =	vpop (erf);
	v3 =	vmul.f32 v61, v5  }
0x14b: {  	s26 =	sadd.s32 $0x1, s26;
	[tilespmem:s30+$0xFFFFFFE0] =	vst v0;
	v63 =	vmul.f32 v62, v1  }
0x14c: {  	p0 =	sne.s32 s26, s12;
	[tilespmem:s30+$0xFFFFFFF0] =	vst v3  }
.Ltmp1:
0x14d: {  	[tilespmem:s30+$0x0] =	vst v63;
	(pc) =	sbr.rel @p0 .LBB2_1-.Ltmp1, $4  }
0x14e: {  	[hbm4b:s11+s1] =	stream.linear.scatter [tilespmem:s24], [sflag:$0x2], $0x200, $0x38;
	[tilespmem:$0x1A00] =	vst v63  }
0x14f: {  	_ =	swait.ge [sflag:s25], $0x200  }
0x150: {  	[sflag:s25] =	ssyncset.done $0x0  }
0x151: {  	[sflag:s25] =	ssyncadd.s32 $0xFFFFFE00  }
0x152: {  	_ =	sfence.sel $0x180000  }
0x153: {  	[bflag:$0x0] =	sbarrier.arrive $0xFFFF  }
0x154: {  	_ =	strace $0x90000047  }
0x155: {  	s0 =	stileid.u32;
	[bflag:$0x2] =	sbarrier.arrive $0xFFFF  }
0x156: {  	p0 =	sne.s32 s0, $0x0;
	s0 =	rddreg [dreg:$0x6]  }
0x157: {  	s0 =	sadd.s32 @!p0 $0x100000, s0  }
0x158: {  	[sflag:s0] =	ssyncadd.tile.s32 @!p0 $0x1;
	_ =	shalt  }
.Lfunc_end2:
_tile_overlayer_lowered:
.L_overlay_start_2:
0x159: {  	(tag) =	ssettag $0x2  }
0x15a: {  	s0 =	rddreg [dreg:$0x0];
	s2 =	stileid.u32  }
0x15b: {  	s1 =	rddreg [dreg:$0x1];
	p0 =	sne.s32 s2, $0x0  }
0x15c: {  	s3 =	rddreg [dreg:$0x2];
	[bflag:$0x3] =	sbarrier.arrive $0xFFFF;
	s2 =	simm.s32 @!p0 $0x1C02  }
0x15d: {  	[timem:s3], [sflag:s2] =	dma.local @!p0 [hbm:s0], s1  }
0x15e: {  	s0 =	simm.s32 @!p0 $0x2  }
0x15f: {  	_ =	swait.ge @!p0 [sflag:s0], s1  }
0x160: {  	s1 =	ssub.s32 @!p0 $0x0, s1;
	[sflag:s0] =	ssyncset.done @!p0 $0x0  }
0x161: {  	[sflag:s0] =	ssyncadd.s32 @!p0 s1  }
0x162: {  	[bflag:$0x3] =	sbarrier.arrive $0xFFFF  }
0x163: {  	_ =	shalt  }

</sc_bundles>
